<compile_context>
chip_gen: v7x
topology: tpu7x:2x2x1
jax: 0.10.2.dev20260603
libtpu: 0.0.44.dev20260713+nightly
codegen_flags: <defaults>
</compile_context>

<pallas_src>
import functools

import jax
import jax.numpy as jnp
from jax import lax
from jax.experimental import pallas as pl
from jax.experimental.pallas import tpu as pltpu
from jax.experimental.pallas import tpu_sc as plsc

_NC = 2
_NS = 16
_NW = _NC * _NS
_CH = 32
_NBUF = 3


@functools.lru_cache(maxsize=None)
def _make_lookup(BA, SEQ, V, D):
    B = BA * SEQ
    assert B % (_NW * _CH) == 0, (BA, SEQ)
    bpw = B // _NW
    nch = bpw // _CH
    assert SEQ % bpw == 0
    wpr = SEQ // bpw

    mesh = plsc.VectorSubcoreMesh(core_axis_name="c", subcore_axis_name="s")

    @functools.partial(
        pl.kernel,
        mesh=mesh,
        out_type=jax.ShapeDtypeStruct((BA, SEQ, D), jnp.float32),
        scratch_types=[
            pltpu.VMEM((bpw,), jnp.int32),
        ] + [pltpu.VMEM((_CH, D), jnp.float32) for _ in range(_NBUF)] + [
            pltpu.SemaphoreType.DMA,
            pltpu.SemaphoreType.DMA,
        ],
    )
    def lookup(ids_hbm, table_hbm, out_hbm, idx_v, *rest):
        bufs = rest[:_NBUF]
        gsem, ssem = rest[_NBUF:]
        wid = lax.axis_index("s") * _NC + lax.axis_index("c")
        b = wid // wpr
        s0 = (wid % wpr) * bpw
        pltpu.sync_copy(ids_hbm.at[b, pl.ds(s0, bpw)], idx_v)

        gathers = [None] * _NBUF
        scatters = [None] * _NBUF
        for c in range(nch):
            s = c % _NBUF
            if scatters[s] is not None:
                scatters[s].wait()
            gathers[s] = pltpu.async_copy(
                table_hbm.at[idx_v.at[pl.ds(c * _CH, _CH)]], bufs[s], gsem)
            if c >= 1:
                p = (c - 1) % _NBUF
                gathers[p].wait()
                scatters[p] = pltpu.async_copy(
                    bufs[p], out_hbm.at[b, pl.ds(s0 + (c - 1) * _CH, _CH)],
                    ssem)
        last = (nch - 1) % _NBUF
        gathers[last].wait()
        scatters[last] = pltpu.async_copy(
            bufs[last], out_hbm.at[b, pl.ds(s0 + (nch - 1) * _CH, _CH)], ssem)
        for c in range(max(0, nch - _NBUF), nch):
            scatters[c % _NBUF].wait()

    return lookup


def kernel(input_ids, wte):
    in_shape = input_ids.shape
    ids = input_ids.reshape((-1, in_shape[-1]))
    if ids.dtype != jnp.int32:
        ids = ids.astype(jnp.int32)
    return _make_lookup(ids.shape[0], ids.shape[1],
                        wte.shape[0], wte.shape[1])(ids, wte)

# --- scband reference (transcript-rebuilt; emitter-appended) ---
"""Pipeline reference for scband-gptembeddings-11038065951561 (READ-ONLY COPY).

The authoritative reference and input builder live on the scoring server;
editing this copy changes nothing except your own understanding.
"""

import jax, jax.numpy as jnp
import numpy as np

VOCAB = 100000
EMBED_DIM = 1024
BATCH = 4
SEQ = 2048

def setup_inputs(seed: int = 0) -> dict:
    key = jax.random.key(seed)
    k_ids, k_wte = jax.random.split(key)
    input_ids = jax.random.randint(k_ids, (BATCH, SEQ), 0, VOCAB, dtype=jnp.int64 if jax.config.jax_enable_x64 else jnp.int32)
    wte = jax.random.normal(k_wte, (VOCAB, EMBED_DIM), dtype=jnp.float32) * 0.02
    return {"input_ids": input_ids, "wte": wte}

def reference(input_ids, wte):
    # forward: input_ids reshaped to (-1, last_dim), then embedding lookup
    input_shape = input_ids.shape
    ids = input_ids.reshape(-1, input_shape[-1])
    hidden_states = jnp.take(wte, ids, axis=0)
    return hidden_states

if __name__ == "__main__":
    import jax
    _d = setup_inputs()
    print(jax.jit(kernel)(*tuple(_d.values())))

</pallas_src>

<mosaic_0001>
#map = affine_map<(d0, d1) -> (0, 0)>
#map1 = affine_map<(d0, d1) -> (0, 0, 0)>
module attributes {stable_mosaic.version = 14 : i64} {
  func.func @lookup(%arg0: i32, %arg1: i32, %arg2: memref<4x2048xi32, #tpu.memory_space<hbm>>, %arg3: memref<100000x1024xf32, #tpu.memory_space<hbm>>, %arg4: memref<4x2048x1024xf32, #tpu.memory_space<hbm>>, %arg5: memref<256xi32, #tpu.memory_space<vmem>>, %arg6: memref<32x1024xf32, #tpu.memory_space<vmem>>, %arg7: memref<32x1024xf32, #tpu.memory_space<vmem>>, %arg8: memref<32x1024xf32, #tpu.memory_space<vmem>>, %arg9: memref<!tpu.dma_semaphore, #tpu.memory_space<semaphore_mem>>, %arg10: memref<!tpu.dma_semaphore, #tpu.memory_space<semaphore_mem>>) attributes {dimension_semantics = [#tpu.dimension_semantics<core_parallel>, #tpu.dimension_semantics<subcore_parallel>], iteration_bounds = array<i64: 2, 16>, scalar_prefetch = 0 : i64, scratch_operands = 6 : i64, tpu.core_type = #tpu.core_type<sc_vector_subcore>, window_params = [{transform_indices = #map}, {transform_indices = #map}, {transform_indices = #map1}]} {
    %mul3A = arith.constant 2 : i32
    %mul3A_0 = arith.muli %arg1, %mul3A : i32
    %add3A = arith.addi %mul3A_0, %arg0 : i32
    %jit3A = arith.constant 8 : i32
    %div3A = arith.divsi %add3A, %jit3A : i32
    %sign3A = arith.constant 0 : i32
    %sign3A_1 = arith.cmpi sgt, %add3A, %sign3A : i32
    %sign3A_2 = arith.extui %sign3A_1 : i1 to i32
    %sign3A_3 = arith.constant 0 : i32
    %sign3A_4 = arith.cmpi slt, %add3A, %sign3A_3 : i32
    %sign3A_5 = arith.extui %sign3A_4 : i1 to i32
    %sign3A_6 = arith.subi %sign3A_2, %sign3A_5 : i32
    %sign3A_7 = arith.constant 0 : i32
    %sign3A_8 = arith.cmpi sgt, %jit3A, %sign3A_7 : i32
    %sign3A_9 = arith.extui %sign3A_8 : i1 to i32
    %sign3A_10 = arith.constant 0 : i32
    %sign3A_11 = arith.cmpi slt, %jit3A, %sign3A_10 : i32
    %sign3A_12 = arith.extui %sign3A_11 : i1 to i32
    %sign3A_13 = arith.subi %sign3A_9, %sign3A_12 : i32
    %ne3A = arith.cmpi ne, %sign3A_6, %sign3A_13 : i32
    %rem3A = arith.remsi %add3A, %jit3A : i32
    %ne3A_14 = arith.constant 0 : i32
    %ne3A_15 = arith.cmpi ne, %rem3A, %ne3A_14 : i32
    %and3A = arith.andi %ne3A, %ne3A_15 : i1
    %sub3A = arith.constant 1 : i32
    %sub3A_16 = arith.subi %div3A, %sub3A : i32
    %select_n3A = arith.select %and3A, %sub3A_16, %div3A : i32
    %jit3A_17 = arith.constant 8 : i32
    %eq3A = arith.constant 0 : i32
    %eq3A_18 = arith.cmpi eq, %jit3A_17, %eq3A : i32
    %jit3A_19 = arith.constant 1 : i32
    %select_n3A_20 = arith.select %eq3A_18, %jit3A_19, %jit3A_17 : i32
    %rem3A_21 = arith.remsi %add3A, %select_n3A_20 : i32
    %ne3A_22 = arith.constant 0 : i32
    %ne3A_23 = arith.cmpi ne, %rem3A_21, %ne3A_22 : i32
    %lt3A = arith.constant 0 : i32
    %lt3A_24 = arith.cmpi slt, %rem3A_21, %lt3A : i32
    %lt3A_25 = arith.constant 0 : i32
    %lt3A_26 = arith.cmpi slt, %select_n3A_20, %lt3A_25 : i32
    %ne3A_27 = arith.xori %lt3A_24, %lt3A_26 : i1
    %and3A_28 = arith.andi %ne3A_27, %ne3A_23 : i1
    %add3A_29 = arith.addi %rem3A_21, %select_n3A_20 : i32
    %select_n3A_30 = arith.select %and3A_28, %add3A_29, %rem3A_21 : i32
    %mul3A_31 = arith.constant 256 : i32
    %mul3A_32 = arith.muli %select_n3A_30, %mul3A_31 : i32
    "tpu.region"() ({
      %run_scoped3A = tpu.sem_alloc : memref<!tpu.dma_semaphore, #tpu.memory_space<semaphore_mem>>
      %dma_start3A_223 = tpu.memref_slice %arg2[%select_n3A, %mul3A_32] : memref<4x2048xi32, #tpu.memory_space<hbm>> -> memref<1x256xi32, #tpu.memory_space<hbm>>
      %dma_start3A_224 = tpu.memref_squeeze %dma_start3A_223 : memref<1x256xi32, #tpu.memory_space<hbm>> -> memref<256xi32, #tpu.memory_space<hbm>>
      %dma_start3A_225 = tpu.memref_slice %arg2[%select_n3A, %mul3A_32] : memref<4x2048xi32, #tpu.memory_space<hbm>> -> memref<1x256xi32, #tpu.memory_space<hbm>>
      %dma_start3A_226 = tpu.memref_squeeze %dma_start3A_225 : memref<1x256xi32, #tpu.memory_space<hbm>> -> memref<256xi32, #tpu.memory_space<hbm>>
      tpu.enqueue_dma source(%dma_start3A_226 : memref<256xi32, #tpu.memory_space<hbm>>) target(%arg5 : memref<256xi32, #tpu.memory_space<vmem>>) target_semaphore(%run_scoped3A : memref<!tpu.dma_semaphore, #tpu.memory_space<semaphore_mem>>)
      %dma_wait3A_227 = tpu.memref_slice %arg2[%select_n3A, %mul3A_32] : memref<4x2048xi32, #tpu.memory_space<hbm>> -> memref<1x256xi32, #tpu.memory_space<hbm>>
      %dma_wait3A_228 = tpu.memref_squeeze %dma_wait3A_227 : memref<1x256xi32, #tpu.memory_space<hbm>> -> memref<256xi32, #tpu.memory_space<hbm>>
      %dma_wait3A_229 = tpu.memref_slice %arg2[%select_n3A, %mul3A_32] : memref<4x2048xi32, #tpu.memory_space<hbm>> -> memref<1x256xi32, #tpu.memory_space<hbm>>
      %dma_wait3A_230 = tpu.memref_squeeze %dma_wait3A_229 : memref<1x256xi32, #tpu.memory_space<hbm>> -> memref<256xi32, #tpu.memory_space<hbm>>
      tpu.wait_dma2 semaphore(%run_scoped3A : memref<!tpu.dma_semaphore, #tpu.memory_space<semaphore_mem>>) src(%dma_wait3A_230 : memref<256xi32, #tpu.memory_space<hbm>>) dst(%arg5 : memref<256xi32, #tpu.memory_space<vmem>>)
      tpu.yield
    }) : () -> ()
    %dma_start3A = arith.constant 0 : i32
    %dma_start3A_33 = tpu.memref_slice %arg5[%dma_start3A] : memref<256xi32, #tpu.memory_space<vmem>> -> memref<32xi32, #tpu.memory_space<vmem>>
    %dma_start3A_34 = arith.constant 0 : i32
    %dma_start3A_35 = arith.constant 0 : i32
    %dma_start3A_36 = tpu.memref_slice %arg3[%dma_start3A_34, %dma_start3A_35] : memref<100000x1024xf32, #tpu.memory_space<hbm>> -> memref<100000x1024xf32, #tpu.memory_space<hbm>>
    tpu.enqueue_indirect_dma source(%dma_start3A_36 : memref<100000x1024xf32, #tpu.memory_space<hbm>>) target(%arg6 : memref<32x1024xf32, #tpu.memory_space<vmem>>) offsets(%dma_start3A_33 : memref<32xi32, #tpu.memory_space<vmem>>) semaphore(%arg9 : memref<!tpu.dma_semaphore, #tpu.memory_space<semaphore_mem>>)
    %dma_start3A_37 = arith.constant 32 : i32
    %dma_start3A_38 = tpu.memref_slice %arg5[%dma_start3A_37] : memref<256xi32, #tpu.memory_space<vmem>> -> memref<32xi32, #tpu.memory_space<vmem>>
    %dma_start3A_39 = arith.constant 0 : i32
    %dma_start3A_40 = arith.constant 0 : i32
    %dma_start3A_41 = tpu.memref_slice %arg3[%dma_start3A_39, %dma_start3A_40] : memref<100000x1024xf32, #tpu.memory_space<hbm>> -> memref<100000x1024xf32, #tpu.memory_space<hbm>>
    tpu.enqueue_indirect_dma source(%dma_start3A_41 : memref<100000x1024xf32, #tpu.memory_space<hbm>>) target(%arg7 : memref<32x1024xf32, #tpu.memory_space<vmem>>) offsets(%dma_start3A_38 : memref<32xi32, #tpu.memory_space<vmem>>) semaphore(%arg9 : memref<!tpu.dma_semaphore, #tpu.memory_space<semaphore_mem>>)
    %dma_wait3A = arith.constant 0 : i32
    %dma_wait3A_42 = tpu.memref_slice %arg5[%dma_wait3A] : memref<256xi32, #tpu.memory_space<vmem>> -> memref<32xi32, #tpu.memory_space<vmem>>
    %dma_wait3A_43 = arith.constant 0 : i32
    %dma_wait3A_44 = arith.constant 0 : i32
    %dma_wait3A_45 = tpu.memref_slice %arg3[%dma_wait3A_43, %dma_wait3A_44] : memref<100000x1024xf32, #tpu.memory_space<hbm>> -> memref<100000x1024xf32, #tpu.memory_space<hbm>>
    tpu.wait_indirect_dma semaphore(%arg9 : memref<!tpu.dma_semaphore, #tpu.memory_space<semaphore_mem>>) src(%dma_wait3A_45 : memref<100000x1024xf32, #tpu.memory_space<hbm>>) dst(%arg6 : memref<32x1024xf32, #tpu.memory_space<vmem>>)
    %add3A_46 = arith.constant 0 : i32
    %add3A_47 = arith.addi %mul3A_32, %add3A_46 : i32
    %dma_start3A_48 = arith.constant 0 : i32
    %dma_start3A_49 = tpu.memref_slice %arg4[%select_n3A, %add3A_47, %dma_start3A_48] : memref<4x2048x1024xf32, #tpu.memory_space<hbm>> -> memref<1x32x1024xf32, #tpu.memory_space<hbm>>
    %dma_start3A_50 = tpu.memref_squeeze %dma_start3A_49 : memref<1x32x1024xf32, #tpu.memory_space<hbm>> -> memref<32x1024xf32, #tpu.memory_space<hbm>>
    %dma_start3A_51 = arith.constant 0 : i32
    %dma_start3A_52 = tpu.memref_slice %arg4[%select_n3A, %add3A_47, %dma_start3A_51] : memref<4x2048x1024xf32, #tpu.memory_space<hbm>> -> memref<1x32x1024xf32, #tpu.memory_space<hbm>>
    %dma_start3A_53 = tpu.memref_squeeze %dma_start3A_52 : memref<1x32x1024xf32, #tpu.memory_space<hbm>> -> memref<32x1024xf32, #tpu.memory_space<hbm>>
    tpu.enqueue_dma source(%arg6 : memref<32x1024xf32, #tpu.memory_space<vmem>>) target(%dma_start3A_53 : memref<32x1024xf32, #tpu.memory_space<hbm>>) target_semaphore(%arg10 : memref<!tpu.dma_semaphore, #tpu.memory_space<semaphore_mem>>)
    %dma_start3A_54 = arith.constant 64 : i32
    %dma_start3A_55 = tpu.memref_slice %arg5[%dma_start3A_54] : memref<256xi32, #tpu.memory_space<vmem>> -> memref<32xi32, #tpu.memory_space<vmem>>
    %dma_start3A_56 = arith.constant 0 : i32
    %dma_start3A_57 = arith.constant 0 : i32
    %dma_start3A_58 = tpu.memref_slice %arg3[%dma_start3A_56, %dma_start3A_57] : memref<100000x1024xf32, #tpu.memory_space<hbm>> -> memref<100000x1024xf32, #tpu.memory_space<hbm>>
    tpu.enqueue_indirect_dma source(%dma_start3A_58 : memref<100000x1024xf32, #tpu.memory_space<hbm>>) target(%arg8 : memref<32x1024xf32, #tpu.memory_space<vmem>>) offsets(%dma_start3A_55 : memref<32xi32, #tpu.memory_space<vmem>>) semaphore(%arg9 : memref<!tpu.dma_semaphore, #tpu.memory_space<semaphore_mem>>)
    %dma_wait3A_59 = arith.constant 32 : i32
    %dma_wait3A_60 = tpu.memref_slice %arg5[%dma_wait3A_59] : memref<256xi32, #tpu.memory_space<vmem>> -> memref<32xi32, #tpu.memory_space<vmem>>
    %dma_wait3A_61 = arith.constant 0 : i32
    %dma_wait3A_62 = arith.constant 0 : i32
    %dma_wait3A_63 = tpu.memref_slice %arg3[%dma_wait3A_61, %dma_wait3A_62] : memref<100000x1024xf32, #tpu.memory_space<hbm>> -> memref<100000x1024xf32, #tpu.memory_space<hbm>>
    tpu.wait_indirect_dma semaphore(%arg9 : memref<!tpu.dma_semaphore, #tpu.memory_space<semaphore_mem>>) src(%dma_wait3A_63 : memref<100000x1024xf32, #tpu.memory_space<hbm>>) dst(%arg7 : memref<32x1024xf32, #tpu.memory_space<vmem>>)
    %add3A_64 = arith.constant 32 : i32
    %add3A_65 = arith.addi %mul3A_32, %add3A_64 : i32
    %dma_start3A_66 = arith.constant 0 : i32
    %dma_start3A_67 = tpu.memref_slice %arg4[%select_n3A, %add3A_65, %dma_start3A_66] : memref<4x2048x1024xf32, #tpu.memory_space<hbm>> -> memref<1x32x1024xf32, #tpu.memory_space<hbm>>
    %dma_start3A_68 = tpu.memref_squeeze %dma_start3A_67 : memref<1x32x1024xf32, #tpu.memory_space<hbm>> -> memref<32x1024xf32, #tpu.memory_space<hbm>>
    %dma_start3A_69 = arith.constant 0 : i32
    %dma_start3A_70 = tpu.memref_slice %arg4[%select_n3A, %add3A_65, %dma_start3A_69] : memref<4x2048x1024xf32, #tpu.memory_space<hbm>> -> memref<1x32x1024xf32, #tpu.memory_space<hbm>>
    %dma_start3A_71 = tpu.memref_squeeze %dma_start3A_70 : memref<1x32x1024xf32, #tpu.memory_space<hbm>> -> memref<32x1024xf32, #tpu.memory_space<hbm>>
    tpu.enqueue_dma source(%arg7 : memref<32x1024xf32, #tpu.memory_space<vmem>>) target(%dma_start3A_71 : memref<32x1024xf32, #tpu.memory_space<hbm>>) target_semaphore(%arg10 : memref<!tpu.dma_semaphore, #tpu.memory_space<semaphore_mem>>)
    %dma_wait3A_72 = arith.constant 0 : i32
    %dma_wait3A_73 = tpu.memref_slice %arg4[%select_n3A, %add3A_47, %dma_wait3A_72] : memref<4x2048x1024xf32, #tpu.memory_space<hbm>> -> memref<1x32x1024xf32, #tpu.memory_space<hbm>>
    %dma_wait3A_74 = tpu.memref_squeeze %dma_wait3A_73 : memref<1x32x1024xf32, #tpu.memory_space<hbm>> -> memref<32x1024xf32, #tpu.memory_space<hbm>>
    %dma_wait3A_75 = arith.constant 0 : i32
    %dma_wait3A_76 = tpu.memref_slice %arg4[%select_n3A, %add3A_47, %dma_wait3A_75] : memref<4x2048x1024xf32, #tpu.memory_space<hbm>> -> memref<1x32x1024xf32, #tpu.memory_space<hbm>>
    %dma_wait3A_77 = tpu.memref_squeeze %dma_wait3A_76 : memref<1x32x1024xf32, #tpu.memory_space<hbm>> -> memref<32x1024xf32, #tpu.memory_space<hbm>>
    tpu.wait_dma2 semaphore(%arg10 : memref<!tpu.dma_semaphore, #tpu.memory_space<semaphore_mem>>) src(%arg6 : memref<32x1024xf32, #tpu.memory_space<vmem>>) dst(%dma_wait3A_77 : memref<32x1024xf32, #tpu.memory_space<hbm>>)
    %dma_start3A_78 = arith.constant 96 : i32
    %dma_start3A_79 = tpu.memref_slice %arg5[%dma_start3A_78] : memref<256xi32, #tpu.memory_space<vmem>> -> memref<32xi32, #tpu.memory_space<vmem>>
    %dma_start3A_80 = arith.constant 0 : i32
    %dma_start3A_81 = arith.constant 0 : i32
    %dma_start3A_82 = tpu.memref_slice %arg3[%dma_start3A_80, %dma_start3A_81] : memref<100000x1024xf32, #tpu.memory_space<hbm>> -> memref<100000x1024xf32, #tpu.memory_space<hbm>>
    tpu.enqueue_indirect_dma source(%dma_start3A_82 : memref<100000x1024xf32, #tpu.memory_space<hbm>>) target(%arg6 : memref<32x1024xf32, #tpu.memory_space<vmem>>) offsets(%dma_start3A_79 : memref<32xi32, #tpu.memory_space<vmem>>) semaphore(%arg9 : memref<!tpu.dma_semaphore, #tpu.memory_space<semaphore_mem>>)
    %dma_wait3A_83 = arith.constant 64 : i32
    %dma_wait3A_84 = tpu.memref_slice %arg5[%dma_wait3A_83] : memref<256xi32, #tpu.memory_space<vmem>> -> memref<32xi32, #tpu.memory_space<vmem>>
    %dma_wait3A_85 = arith.constant 0 : i32
    %dma_wait3A_86 = arith.constant 0 : i32
    %dma_wait3A_87 = tpu.memref_slice %arg3[%dma_wait3A_85, %dma_wait3A_86] : memref<100000x1024xf32, #tpu.memory_space<hbm>> -> memref<100000x1024xf32, #tpu.memory_space<hbm>>
    tpu.wait_indirect_dma semaphore(%arg9 : memref<!tpu.dma_semaphore, #tpu.memory_space<semaphore_mem>>) src(%dma_wait3A_87 : memref<100000x1024xf32, #tpu.memory_space<hbm>>) dst(%arg8 : memref<32x1024xf32, #tpu.memory_space<vmem>>)
    %add3A_88 = arith.constant 64 : i32
    %add3A_89 = arith.addi %mul3A_32, %add3A_88 : i32
    %dma_start3A_90 = arith.constant 0 : i32
    %dma_start3A_91 = tpu.memref_slice %arg4[%select_n3A, %add3A_89, %dma_start3A_90] : memref<4x2048x1024xf32, #tpu.memory_space<hbm>> -> memref<1x32x1024xf32, #tpu.memory_space<hbm>>
    %dma_start3A_92 = tpu.memref_squeeze %dma_start3A_91 : memref<1x32x1024xf32, #tpu.memory_space<hbm>> -> memref<32x1024xf32, #tpu.memory_space<hbm>>
    %dma_start3A_93 = arith.constant 0 : i32
    %dma_start3A_94 = tpu.memref_slice %arg4[%select_n3A, %add3A_89, %dma_start3A_93] : memref<4x2048x1024xf32, #tpu.memory_space<hbm>> -> memref<1x32x1024xf32, #tpu.memory_space<hbm>>
    %dma_start3A_95 = tpu.memref_squeeze %dma_start3A_94 : memref<1x32x1024xf32, #tpu.memory_space<hbm>> -> memref<32x1024xf32, #tpu.memory_space<hbm>>
    tpu.enqueue_dma source(%arg8 : memref<32x1024xf32, #tpu.memory_space<vmem>>) target(%dma_start3A_95 : memref<32x1024xf32, #tpu.memory_space<hbm>>) target_semaphore(%arg10 : memref<!tpu.dma_semaphore, #tpu.memory_space<semaphore_mem>>)
    %dma_wait3A_96 = arith.constant 0 : i32
    %dma_wait3A_97 = tpu.memref_slice %arg4[%select_n3A, %add3A_65, %dma_wait3A_96] : memref<4x2048x1024xf32, #tpu.memory_space<hbm>> -> memref<1x32x1024xf32, #tpu.memory_space<hbm>>
    %dma_wait3A_98 = tpu.memref_squeeze %dma_wait3A_97 : memref<1x32x1024xf32, #tpu.memory_space<hbm>> -> memref<32x1024xf32, #tpu.memory_space<hbm>>
    %dma_wait3A_99 = arith.constant 0 : i32
    %dma_wait3A_100 = tpu.memref_slice %arg4[%select_n3A, %add3A_65, %dma_wait3A_99] : memref<4x2048x1024xf32, #tpu.memory_space<hbm>> -> memref<1x32x1024xf32, #tpu.memory_space<hbm>>
    %dma_wait3A_101 = tpu.memref_squeeze %dma_wait3A_100 : memref<1x32x1024xf32, #tpu.memory_space<hbm>> -> memref<32x1024xf32, #tpu.memory_space<hbm>>
    tpu.wait_dma2 semaphore(%arg10 : memref<!tpu.dma_semaphore, #tpu.memory_space<semaphore_mem>>) src(%arg7 : memref<32x1024xf32, #tpu.memory_space<vmem>>) dst(%dma_wait3A_101 : memref<32x1024xf32, #tpu.memory_space<hbm>>)
    %dma_start3A_102 = arith.constant 128 : i32
    %dma_start3A_103 = tpu.memref_slice %arg5[%dma_start3A_102] : memref<256xi32, #tpu.memory_space<vmem>> -> memref<32xi32, #tpu.memory_space<vmem>>
    %dma_start3A_104 = arith.constant 0 : i32
    %dma_start3A_105 = arith.constant 0 : i32
    %dma_start3A_106 = tpu.memref_slice %arg3[%dma_start3A_104, %dma_start3A_105] : memref<100000x1024xf32, #tpu.memory_space<hbm>> -> memref<100000x1024xf32, #tpu.memory_space<hbm>>
    tpu.enqueue_indirect_dma source(%dma_start3A_106 : memref<100000x1024xf32, #tpu.memory_space<hbm>>) target(%arg7 : memref<32x1024xf32, #tpu.memory_space<vmem>>) offsets(%dma_start3A_103 : memref<32xi32, #tpu.memory_space<vmem>>) semaphore(%arg9 : memref<!tpu.dma_semaphore, #tpu.memory_space<semaphore_mem>>)
    %dma_wait3A_107 = arith.constant 96 : i32
    %dma_wait3A_108 = tpu.memref_slice %arg5[%dma_wait3A_107] : memref<256xi32, #tpu.memory_space<vmem>> -> memref<32xi32, #tpu.memory_space<vmem>>
    %dma_wait3A_109 = arith.constant 0 : i32
    %dma_wait3A_110 = arith.constant 0 : i32
    %dma_wait3A_111 = tpu.memref_slice %arg3[%dma_wait3A_109, %dma_wait3A_110] : memref<100000x1024xf32, #tpu.memory_space<hbm>> -> memref<100000x1024xf32, #tpu.memory_space<hbm>>
    tpu.wait_indirect_dma semaphore(%arg9 : memref<!tpu.dma_semaphore, #tpu.memory_space<semaphore_mem>>) src(%dma_wait3A_111 : memref<100000x1024xf32, #tpu.memory_space<hbm>>) dst(%arg6 : memref<32x1024xf32, #tpu.memory_space<vmem>>)
    %add3A_112 = arith.constant 96 : i32
    %add3A_113 = arith.addi %mul3A_32, %add3A_112 : i32
    %dma_start3A_114 = arith.constant 0 : i32
    %dma_start3A_115 = tpu.memref_slice %arg4[%select_n3A, %add3A_113, %dma_start3A_114] : memref<4x2048x1024xf32, #tpu.memory_space<hbm>> -> memref<1x32x1024xf32, #tpu.memory_space<hbm>>
    %dma_start3A_116 = tpu.memref_squeeze %dma_start3A_115 : memref<1x32x1024xf32, #tpu.memory_space<hbm>> -> memref<32x1024xf32, #tpu.memory_space<hbm>>
    %dma_start3A_117 = arith.constant 0 : i32
    %dma_start3A_118 = tpu.memref_slice %arg4[%select_n3A, %add3A_113, %dma_start3A_117] : memref<4x2048x1024xf32, #tpu.memory_space<hbm>> -> memref<1x32x1024xf32, #tpu.memory_space<hbm>>
    %dma_start3A_119 = tpu.memref_squeeze %dma_start3A_118 : memref<1x32x1024xf32, #tpu.memory_space<hbm>> -> memref<32x1024xf32, #tpu.memory_space<hbm>>
    tpu.enqueue_dma source(%arg6 : memref<32x1024xf32, #tpu.memory_space<vmem>>) target(%dma_start3A_119 : memref<32x1024xf32, #tpu.memory_space<hbm>>) target_semaphore(%arg10 : memref<!tpu.dma_semaphore, #tpu.memory_space<semaphore_mem>>)
    %dma_wait3A_120 = arith.constant 0 : i32
    %dma_wait3A_121 = tpu.memref_slice %arg4[%select_n3A, %add3A_89, %dma_wait3A_120] : memref<4x2048x1024xf32, #tpu.memory_space<hbm>> -> memref<1x32x1024xf32, #tpu.memory_space<hbm>>
    %dma_wait3A_122 = tpu.memref_squeeze %dma_wait3A_121 : memref<1x32x1024xf32, #tpu.memory_space<hbm>> -> memref<32x1024xf32, #tpu.memory_space<hbm>>
    %dma_wait3A_123 = arith.constant 0 : i32
    %dma_wait3A_124 = tpu.memref_slice %arg4[%select_n3A, %add3A_89, %dma_wait3A_123] : memref<4x2048x1024xf32, #tpu.memory_space<hbm>> -> memref<1x32x1024xf32, #tpu.memory_space<hbm>>
    %dma_wait3A_125 = tpu.memref_squeeze %dma_wait3A_124 : memref<1x32x1024xf32, #tpu.memory_space<hbm>> -> memref<32x1024xf32, #tpu.memory_space<hbm>>
    tpu.wait_dma2 semaphore(%arg10 : memref<!tpu.dma_semaphore, #tpu.memory_space<semaphore_mem>>) src(%arg8 : memref<32x1024xf32, #tpu.memory_space<vmem>>) dst(%dma_wait3A_125 : memref<32x1024xf32, #tpu.memory_space<hbm>>)
    %dma_start3A_126 = arith.constant 160 : i32
    %dma_start3A_127 = tpu.memref_slice %arg5[%dma_start3A_126] : memref<256xi32, #tpu.memory_space<vmem>> -> memref<32xi32, #tpu.memory_space<vmem>>
    %dma_start3A_128 = arith.constant 0 : i32
    %dma_start3A_129 = arith.constant 0 : i32
    %dma_start3A_130 = tpu.memref_slice %arg3[%dma_start3A_128, %dma_start3A_129] : memref<100000x1024xf32, #tpu.memory_space<hbm>> -> memref<100000x1024xf32, #tpu.memory_space<hbm>>
    tpu.enqueue_indirect_dma source(%dma_start3A_130 : memref<100000x1024xf32, #tpu.memory_space<hbm>>) target(%arg8 : memref<32x1024xf32, #tpu.memory_space<vmem>>) offsets(%dma_start3A_127 : memref<32xi32, #tpu.memory_space<vmem>>) semaphore(%arg9 : memref<!tpu.dma_semaphore, #tpu.memory_space<semaphore_mem>>)
    %dma_wait3A_131 = arith.constant 128 : i32
    %dma_wait3A_132 = tpu.memref_slice %arg5[%dma_wait3A_131] : memref<256xi32, #tpu.memory_space<vmem>> -> memref<32xi32, #tpu.memory_space<vmem>>
    %dma_wait3A_133 = arith.constant 0 : i32
    %dma_wait3A_134 = arith.constant 0 : i32
    %dma_wait3A_135 = tpu.memref_slice %arg3[%dma_wait3A_133, %dma_wait3A_134] : memref<100000x1024xf32, #tpu.memory_space<hbm>> -> memref<100000x1024xf32, #tpu.memory_space<hbm>>
    tpu.wait_indirect_dma semaphore(%arg9 : memref<!tpu.dma_semaphore, #tpu.memory_space<semaphore_mem>>) src(%dma_wait3A_135 : memref<100000x1024xf32, #tpu.memory_space<hbm>>) dst(%arg7 : memref<32x1024xf32, #tpu.memory_space<vmem>>)
    %add3A_136 = arith.constant 128 : i32
    %add3A_137 = arith.addi %mul3A_32, %add3A_136 : i32
    %dma_start3A_138 = arith.constant 0 : i32
    %dma_start3A_139 = tpu.memref_slice %arg4[%select_n3A, %add3A_137, %dma_start3A_138] : memref<4x2048x1024xf32, #tpu.memory_space<hbm>> -> memref<1x32x1024xf32, #tpu.memory_space<hbm>>
    %dma_start3A_140 = tpu.memref_squeeze %dma_start3A_139 : memref<1x32x1024xf32, #tpu.memory_space<hbm>> -> memref<32x1024xf32, #tpu.memory_space<hbm>>
    %dma_start3A_141 = arith.constant 0 : i32
    %dma_start3A_142 = tpu.memref_slice %arg4[%select_n3A, %add3A_137, %dma_start3A_141] : memref<4x2048x1024xf32, #tpu.memory_space<hbm>> -> memref<1x32x1024xf32, #tpu.memory_space<hbm>>
    %dma_start3A_143 = tpu.memref_squeeze %dma_start3A_142 : memref<1x32x1024xf32, #tpu.memory_space<hbm>> -> memref<32x1024xf32, #tpu.memory_space<hbm>>
    tpu.enqueue_dma source(%arg7 : memref<32x1024xf32, #tpu.memory_space<vmem>>) target(%dma_start3A_143 : memref<32x1024xf32, #tpu.memory_space<hbm>>) target_semaphore(%arg10 : memref<!tpu.dma_semaphore, #tpu.memory_space<semaphore_mem>>)
    %dma_wait3A_144 = arith.constant 0 : i32
    %dma_wait3A_145 = tpu.memref_slice %arg4[%select_n3A, %add3A_113, %dma_wait3A_144] : memref<4x2048x1024xf32, #tpu.memory_space<hbm>> -> memref<1x32x1024xf32, #tpu.memory_space<hbm>>
    %dma_wait3A_146 = tpu.memref_squeeze %dma_wait3A_145 : memref<1x32x1024xf32, #tpu.memory_space<hbm>> -> memref<32x1024xf32, #tpu.memory_space<hbm>>
    %dma_wait3A_147 = arith.constant 0 : i32
    %dma_wait3A_148 = tpu.memref_slice %arg4[%select_n3A, %add3A_113, %dma_wait3A_147] : memref<4x2048x1024xf32, #tpu.memory_space<hbm>> -> memref<1x32x1024xf32, #tpu.memory_space<hbm>>
    %dma_wait3A_149 = tpu.memref_squeeze %dma_wait3A_148 : memref<1x32x1024xf32, #tpu.memory_space<hbm>> -> memref<32x1024xf32, #tpu.memory_space<hbm>>
    tpu.wait_dma2 semaphore(%arg10 : memref<!tpu.dma_semaphore, #tpu.memory_space<semaphore_mem>>) src(%arg6 : memref<32x1024xf32, #tpu.memory_space<vmem>>) dst(%dma_wait3A_149 : memref<32x1024xf32, #tpu.memory_space<hbm>>)
    %dma_start3A_150 = arith.constant 192 : i32
    %dma_start3A_151 = tpu.memref_slice %arg5[%dma_start3A_150] : memref<256xi32, #tpu.memory_space<vmem>> -> memref<32xi32, #tpu.memory_space<vmem>>
    %dma_start3A_152 = arith.constant 0 : i32
    %dma_start3A_153 = arith.constant 0 : i32
    %dma_start3A_154 = tpu.memref_slice %arg3[%dma_start3A_152, %dma_start3A_153] : memref<100000x1024xf32, #tpu.memory_space<hbm>> -> memref<100000x1024xf32, #tpu.memory_space<hbm>>
    tpu.enqueue_indirect_dma source(%dma_start3A_154 : memref<100000x1024xf32, #tpu.memory_space<hbm>>) target(%arg6 : memref<32x1024xf32, #tpu.memory_space<vmem>>) offsets(%dma_start3A_151 : memref<32xi32, #tpu.memory_space<vmem>>) semaphore(%arg9 : memref<!tpu.dma_semaphore, #tpu.memory_space<semaphore_mem>>)
    %dma_wait3A_155 = arith.constant 160 : i32
    %dma_wait3A_156 = tpu.memref_slice %arg5[%dma_wait3A_155] : memref<256xi32, #tpu.memory_space<vmem>> -> memref<32xi32, #tpu.memory_space<vmem>>
    %dma_wait3A_157 = arith.constant 0 : i32
    %dma_wait3A_158 = arith.constant 0 : i32
    %dma_wait3A_159 = tpu.memref_slice %arg3[%dma_wait3A_157, %dma_wait3A_158] : memref<100000x1024xf32, #tpu.memory_space<hbm>> -> memref<100000x1024xf32, #tpu.memory_space<hbm>>
    tpu.wait_indirect_dma semaphore(%arg9 : memref<!tpu.dma_semaphore, #tpu.memory_space<semaphore_mem>>) src(%dma_wait3A_159 : memref<100000x1024xf32, #tpu.memory_space<hbm>>) dst(%arg8 : memref<32x1024xf32, #tpu.memory_space<vmem>>)
    %add3A_160 = arith.constant 160 : i32
    %add3A_161 = arith.addi %mul3A_32, %add3A_160 : i32
    %dma_start3A_162 = arith.constant 0 : i32
    %dma_start3A_163 = tpu.memref_slice %arg4[%select_n3A, %add3A_161, %dma_start3A_162] : memref<4x2048x1024xf32, #tpu.memory_space<hbm>> -> memref<1x32x1024xf32, #tpu.memory_space<hbm>>
    %dma_start3A_164 = tpu.memref_squeeze %dma_start3A_163 : memref<1x32x1024xf32, #tpu.memory_space<hbm>> -> memref<32x1024xf32, #tpu.memory_space<hbm>>
    %dma_start3A_165 = arith.constant 0 : i32
    %dma_start3A_166 = tpu.memref_slice %arg4[%select_n3A, %add3A_161, %dma_start3A_165] : memref<4x2048x1024xf32, #tpu.memory_space<hbm>> -> memref<1x32x1024xf32, #tpu.memory_space<hbm>>
    %dma_start3A_167 = tpu.memref_squeeze %dma_start3A_166 : memref<1x32x1024xf32, #tpu.memory_space<hbm>> -> memref<32x1024xf32, #tpu.memory_space<hbm>>
    tpu.enqueue_dma source(%arg8 : memref<32x1024xf32, #tpu.memory_space<vmem>>) target(%dma_start3A_167 : memref<32x1024xf32, #tpu.memory_space<hbm>>) target_semaphore(%arg10 : memref<!tpu.dma_semaphore, #tpu.memory_space<semaphore_mem>>)
    %dma_wait3A_168 = arith.constant 0 : i32
    %dma_wait3A_169 = tpu.memref_slice %arg4[%select_n3A, %add3A_137, %dma_wait3A_168] : memref<4x2048x1024xf32, #tpu.memory_space<hbm>> -> memref<1x32x1024xf32, #tpu.memory_space<hbm>>
    %dma_wait3A_170 = tpu.memref_squeeze %dma_wait3A_169 : memref<1x32x1024xf32, #tpu.memory_space<hbm>> -> memref<32x1024xf32, #tpu.memory_space<hbm>>
    %dma_wait3A_171 = arith.constant 0 : i32
    %dma_wait3A_172 = tpu.memref_slice %arg4[%select_n3A, %add3A_137, %dma_wait3A_171] : memref<4x2048x1024xf32, #tpu.memory_space<hbm>> -> memref<1x32x1024xf32, #tpu.memory_space<hbm>>
    %dma_wait3A_173 = tpu.memref_squeeze %dma_wait3A_172 : memref<1x32x1024xf32, #tpu.memory_space<hbm>> -> memref<32x1024xf32, #tpu.memory_space<hbm>>
    tpu.wait_dma2 semaphore(%arg10 : memref<!tpu.dma_semaphore, #tpu.memory_space<semaphore_mem>>) src(%arg7 : memref<32x1024xf32, #tpu.memory_space<vmem>>) dst(%dma_wait3A_173 : memref<32x1024xf32, #tpu.memory_space<hbm>>)
    %dma_start3A_174 = arith.constant 224 : i32
    %dma_start3A_175 = tpu.memref_slice %arg5[%dma_start3A_174] : memref<256xi32, #tpu.memory_space<vmem>> -> memref<32xi32, #tpu.memory_space<vmem>>
    %dma_start3A_176 = arith.constant 0 : i32
    %dma_start3A_177 = arith.constant 0 : i32
    %dma_start3A_178 = tpu.memref_slice %arg3[%dma_start3A_176, %dma_start3A_177] : memref<100000x1024xf32, #tpu.memory_space<hbm>> -> memref<100000x1024xf32, #tpu.memory_space<hbm>>
    tpu.enqueue_indirect_dma source(%dma_start3A_178 : memref<100000x1024xf32, #tpu.memory_space<hbm>>) target(%arg7 : memref<32x1024xf32, #tpu.memory_space<vmem>>) offsets(%dma_start3A_175 : memref<32xi32, #tpu.memory_space<vmem>>) semaphore(%arg9 : memref<!tpu.dma_semaphore, #tpu.memory_space<semaphore_mem>>)
    %dma_wait3A_179 = arith.constant 192 : i32
    %dma_wait3A_180 = tpu.memref_slice %arg5[%dma_wait3A_179] : memref<256xi32, #tpu.memory_space<vmem>> -> memref<32xi32, #tpu.memory_space<vmem>>
    %dma_wait3A_181 = arith.constant 0 : i32
    %dma_wait3A_182 = arith.constant 0 : i32
    %dma_wait3A_183 = tpu.memref_slice %arg3[%dma_wait3A_181, %dma_wait3A_182] : memref<100000x1024xf32, #tpu.memory_space<hbm>> -> memref<100000x1024xf32, #tpu.memory_space<hbm>>
    tpu.wait_indirect_dma semaphore(%arg9 : memref<!tpu.dma_semaphore, #tpu.memory_space<semaphore_mem>>) src(%dma_wait3A_183 : memref<100000x1024xf32, #tpu.memory_space<hbm>>) dst(%arg6 : memref<32x1024xf32, #tpu.memory_space<vmem>>)
    %add3A_184 = arith.constant 192 : i32
    %add3A_185 = arith.addi %mul3A_32, %add3A_184 : i32
    %dma_start3A_186 = arith.constant 0 : i32
    %dma_start3A_187 = tpu.memref_slice %arg4[%select_n3A, %add3A_185, %dma_start3A_186] : memref<4x2048x1024xf32, #tpu.memory_space<hbm>> -> memref<1x32x1024xf32, #tpu.memory_space<hbm>>
    %dma_start3A_188 = tpu.memref_squeeze %dma_start3A_187 : memref<1x32x1024xf32, #tpu.memory_space<hbm>> -> memref<32x1024xf32, #tpu.memory_space<hbm>>
    %dma_start3A_189 = arith.constant 0 : i32
    %dma_start3A_190 = tpu.memref_slice %arg4[%select_n3A, %add3A_185, %dma_start3A_189] : memref<4x2048x1024xf32, #tpu.memory_space<hbm>> -> memref<1x32x1024xf32, #tpu.memory_space<hbm>>
    %dma_start3A_191 = tpu.memref_squeeze %dma_start3A_190 : memref<1x32x1024xf32, #tpu.memory_space<hbm>> -> memref<32x1024xf32, #tpu.memory_space<hbm>>
    tpu.enqueue_dma source(%arg6 : memref<32x1024xf32, #tpu.memory_space<vmem>>) target(%dma_start3A_191 : memref<32x1024xf32, #tpu.memory_space<hbm>>) target_semaphore(%arg10 : memref<!tpu.dma_semaphore, #tpu.memory_space<semaphore_mem>>)
    %dma_wait3A_192 = arith.constant 224 : i32
    %dma_wait3A_193 = tpu.memref_slice %arg5[%dma_wait3A_192] : memref<256xi32, #tpu.memory_space<vmem>> -> memref<32xi32, #tpu.memory_space<vmem>>
    %dma_wait3A_194 = arith.constant 0 : i32
    %dma_wait3A_195 = arith.constant 0 : i32
    %dma_wait3A_196 = tpu.memref_slice %arg3[%dma_wait3A_194, %dma_wait3A_195] : memref<100000x1024xf32, #tpu.memory_space<hbm>> -> memref<100000x1024xf32, #tpu.memory_space<hbm>>
    tpu.wait_indirect_dma semaphore(%arg9 : memref<!tpu.dma_semaphore, #tpu.memory_space<semaphore_mem>>) src(%dma_wait3A_196 : memref<100000x1024xf32, #tpu.memory_space<hbm>>) dst(%arg7 : memref<32x1024xf32, #tpu.memory_space<vmem>>)
    %add3A_197 = arith.constant 224 : i32
    %add3A_198 = arith.addi %mul3A_32, %add3A_197 : i32
    %dma_start3A_199 = arith.constant 0 : i32
    %dma_start3A_200 = tpu.memref_slice %arg4[%select_n3A, %add3A_198, %dma_start3A_199] : memref<4x2048x1024xf32, #tpu.memory_space<hbm>> -> memref<1x32x1024xf32, #tpu.memory_space<hbm>>
    %dma_start3A_201 = tpu.memref_squeeze %dma_start3A_200 : memref<1x32x1024xf32, #tpu.memory_space<hbm>> -> memref<32x1024xf32, #tpu.memory_space<hbm>>
    %dma_start3A_202 = arith.constant 0 : i32
    %dma_start3A_203 = tpu.memref_slice %arg4[%select_n3A, %add3A_198, %dma_start3A_202] : memref<4x2048x1024xf32, #tpu.memory_space<hbm>> -> memref<1x32x1024xf32, #tpu.memory_space<hbm>>
    %dma_start3A_204 = tpu.memref_squeeze %dma_start3A_203 : memref<1x32x1024xf32, #tpu.memory_space<hbm>> -> memref<32x1024xf32, #tpu.memory_space<hbm>>
    tpu.enqueue_dma source(%arg7 : memref<32x1024xf32, #tpu.memory_space<vmem>>) target(%dma_start3A_204 : memref<32x1024xf32, #tpu.memory_space<hbm>>) target_semaphore(%arg10 : memref<!tpu.dma_semaphore, #tpu.memory_space<semaphore_mem>>)
    %dma_wait3A_205 = arith.constant 0 : i32
    %dma_wait3A_206 = tpu.memref_slice %arg4[%select_n3A, %add3A_161, %dma_wait3A_205] : memref<4x2048x1024xf32, #tpu.memory_space<hbm>> -> memref<1x32x1024xf32, #tpu.memory_space<hbm>>
    %dma_wait3A_207 = tpu.memref_squeeze %dma_wait3A_206 : memref<1x32x1024xf32, #tpu.memory_space<hbm>> -> memref<32x1024xf32, #tpu.memory_space<hbm>>
    %dma_wait3A_208 = arith.constant 0 : i32
    %dma_wait3A_209 = tpu.memref_slice %arg4[%select_n3A, %add3A_161, %dma_wait3A_208] : memref<4x2048x1024xf32, #tpu.memory_space<hbm>> -> memref<1x32x1024xf32, #tpu.memory_space<hbm>>
    %dma_wait3A_210 = tpu.memref_squeeze %dma_wait3A_209 : memref<1x32x1024xf32, #tpu.memory_space<hbm>> -> memref<32x1024xf32, #tpu.memory_space<hbm>>
    tpu.wait_dma2 semaphore(%arg10 : memref<!tpu.dma_semaphore, #tpu.memory_space<semaphore_mem>>) src(%arg8 : memref<32x1024xf32, #tpu.memory_space<vmem>>) dst(%dma_wait3A_210 : memref<32x1024xf32, #tpu.memory_space<hbm>>)
    %dma_wait3A_211 = arith.constant 0 : i32
    %dma_wait3A_212 = tpu.memref_slice %arg4[%select_n3A, %add3A_185, %dma_wait3A_211] : memref<4x2048x1024xf32, #tpu.memory_space<hbm>> -> memref<1x32x1024xf32, #tpu.memory_space<hbm>>
    %dma_wait3A_213 = tpu.memref_squeeze %dma_wait3A_212 : memref<1x32x1024xf32, #tpu.memory_space<hbm>> -> memref<32x1024xf32, #tpu.memory_space<hbm>>
    %dma_wait3A_214 = arith.constant 0 : i32
    %dma_wait3A_215 = tpu.memref_slice %arg4[%select_n3A, %add3A_185, %dma_wait3A_214] : memref<4x2048x1024xf32, #tpu.memory_space<hbm>> -> memref<1x32x1024xf32, #tpu.memory_space<hbm>>
    %dma_wait3A_216 = tpu.memref_squeeze %dma_wait3A_215 : memref<1x32x1024xf32, #tpu.memory_space<hbm>> -> memref<32x1024xf32, #tpu.memory_space<hbm>>
    tpu.wait_dma2 semaphore(%arg10 : memref<!tpu.dma_semaphore, #tpu.memory_space<semaphore_mem>>) src(%arg6 : memref<32x1024xf32, #tpu.memory_space<vmem>>) dst(%dma_wait3A_216 : memref<32x1024xf32, #tpu.memory_space<hbm>>)
    %dma_wait3A_217 = arith.constant 0 : i32
    %dma_wait3A_218 = tpu.memref_slice %arg4[%select_n3A, %add3A_198, %dma_wait3A_217] : memref<4x2048x1024xf32, #tpu.memory_space<hbm>> -> memref<1x32x1024xf32, #tpu.memory_space<hbm>>
    %dma_wait3A_219 = tpu.memref_squeeze %dma_wait3A_218 : memref<1x32x1024xf32, #tpu.memory_space<hbm>> -> memref<32x1024xf32, #tpu.memory_space<hbm>>
    %dma_wait3A_220 = arith.constant 0 : i32
    %dma_wait3A_221 = tpu.memref_slice %arg4[%select_n3A, %add3A_198, %dma_wait3A_220] : memref<4x2048x1024xf32, #tpu.memory_space<hbm>> -> memref<1x32x1024xf32, #tpu.memory_space<hbm>>
    %dma_wait3A_222 = tpu.memref_squeeze %dma_wait3A_221 : memref<1x32x1024xf32, #tpu.memory_space<hbm>> -> memref<32x1024xf32, #tpu.memory_space<hbm>>
    tpu.wait_dma2 semaphore(%arg10 : memref<!tpu.dma_semaphore, #tpu.memory_space<semaphore_mem>>) src(%arg7 : memref<32x1024xf32, #tpu.memory_space<vmem>>) dst(%dma_wait3A_222 : memref<32x1024xf32, #tpu.memory_space<hbm>>)
    return
  }
}

</mosaic_0001>

<sc_bundles>
// kernel: kernel.3.cloned.1.call-start
scs
__scs_entry_jumppad:
0x0: {  	(pc) =	sbr.rel $0x88, $3  }
0x1: {  	(tag) =	ssettag $0x0;
	lr =	simm.s32 $0x1  }
0x2: {  	[smem:$0x3F9F] =	sst lr;
	_ =	strace $0xD0000000  }
0x3: {  	_ = 	snop  }
0x4: {  	_ = 	snop  }
0x5: {  	_ = 	snop  }
0x6: {  	_ = 	snop  }
0x7: {  	_ = 	snop  }
__scs_overlays_trampoline_lowered:
0x8: {  	[smem:$0x3FAE] =	sst s0  }
0x9: {  	[smem:$0x3FAF] =	sst s1  }
0xa: {  	[smem:$0x3FB0] =	sst s2  }
0xb: {  	[smem:$0x3FB1] =	sst s3  }
0xc: {  	[smem:$0x3FB2] =	sst s4  }
0xd: {  	[smem:$0x3FB3] =	sst s5  }
0xe: {  	[smem:$0x3FB4] =	sst s6  }
0xf: {  	[smem:$0x3FB5] =	sst s7  }
0x10: {  	[smem:$0x3FB6] =	sst s8  }
0x11: {  	[smem:$0x3FB7] =	sst s9;
	s0 =	simm.s32 @!p0 $0x0  }
0x12: {  	s1 =	sld [smem:$0x3F9D];
	s0 =	simm.s32 @p0 $0x1  }
0x13: {  	[smem:$0x3FB8] =	sst s0;
	s0 =	simm.s32 @!p1 $0x0  }
0x14: {  	s2 =	sld [smem:$0x3F9C];
	s0 =	simm.s32 @p1 $0x1  }
0x15: {  	[smem:$0x3FB9] =	sst s0;
	s0 =	simm.s32 @!p2 $0x0  }
0x16: {  	s3 =	sld [smem:$0x3FDB];
	s0 =	simm.s32 @p2 $0x1  }
0x17: {  	s4 =	simm.s32 $0x1BF5;
	[smem:$0x3FBB] =	sst s0  }
0x18: {  	s0 =	sld [smem:$0x3F9E];
	_ =	swait.ge [sflag:s4], $0x0  }
0x19: {  	s7 =	sld [smem:$0x3F9F]  }
0x1a: {  	s8 =	sadd.s32 $0xFFFFE003, lr  }
0x1b: {  	s9 =	sadd.s32 $0xFFFFFEF7, lr;
	s5 =	simm.s32 $0xFFFFFFFF;
	p2 =	slt.u32 s8, $0xFFFFF086  }
0x1c: {  	p1 =	slt.u32 s9, $0xF7A;
	s5 =	simm.s32 @!p2 $0x0  }
0x1d: {  	s5 =	simm.s32 @p1 $0x1;
	p0 =	seq.s32 s7, s2  }
0x1e: {  	s7 =	smul.u32 @!p0 $0xF7A, s2;
	p2 =	seq.s32 @!p0 s5, $0x0  }
0x1f: {  	s9 =	smul.u32 $0xF7A, s1;
	s8 =	simm.s32 @!p0 $0x1BF5;
	p2 =	por !p2, p0  }
0x20: {  	[sflag:s8] =	ssyncset.s32 @!p0 $0xFFFFF086;
	s6 =	sadd.s32 @!p0 s3, s7;
	s7 =	simm.s32 @!p0 $0x108  }
0x21: {  	s3 =	sadd.s32 s3, s9;
	s6 =	sadd.s32 @!p0 $0x88, s6;
	s7 =	simm.s32 @p2 $0x1082  }
0x22: {  	[simem:s7], [sflag:s8] =	dma.local @!p0 [hbm:s6], $0xF7A  }
0x23: {  	s9 =	sor.u32 $0xD0000000, s2;
	s6 =	simm.s32 $0x108;
	_ =	swait.ge @!p0 [sflag:s8], $0x0  }
0x24: {  	s3 =	sadd.s32 $0x88, s3;
	s6 =	simm.s32 @!p1 $0x1082;
	[sflag:s4] =	ssyncset.s32 $0xFFFFF086  }
0x25: {  	[simem:s6], [sflag:s4] =	dma.local [hbm:s3], $0xF7A  }
0x26: {  	[smem:$0x3F9F] =	sst s1;
	(tag) =	ssettag s2;
	_ =	strace s9  }
0x27: {  	s1 =	sld [smem:$0x3FAF]  }
0x28: {  	s2 =	sld [smem:$0x3FB0]  }
0x29: {  	s4 =	sld [smem:$0x3FB2]  }
0x2a: {  	p0 =	seq.s32 s5, $0x0;
	s5 =	sld [smem:$0x3FB3]  }
0x2b: {  	s6 =	sld [smem:$0x3FB4]  }
0x2c: {  	s7 =	sld [smem:$0x3FB5]  }
0x2d: {  	s3 =	simm.s32 $0x108;
	s8 =	sld [smem:$0x3FB6]  }
0x2e: {  	s3 =	simm.s32 @!p0 $0x1082;
	s9 =	sld [smem:$0x3FB7]  }
0x2f: {  	lr =	sadd.s32 s0, s3;
	s0 =	sld [smem:$0x3FAE]  }
0x30: {  	s3 =	sld [smem:$0x3FB1]  }
0x31: {  	[smem:$0x3FBA] =	sst s10  }
0x32: {  	s10 =	sld [smem:$0x3FB8];
	_ =	sdelay $0x3  }
0x33: {  	p0 =	seq.s32 s10, $0x1;
	s10 =	sld [smem:$0x3FBA];
	_ =	sdelay $0x3  }
0x34: {  	[smem:$0x3FBA] =	sst s10  }
0x35: {  	s10 =	sld [smem:$0x3FB9];
	_ =	sdelay $0x3  }
0x36: {  	p1 =	seq.s32 s10, $0x1;
	s10 =	sld [smem:$0x3FBA];
	_ =	sdelay $0x3  }
0x37: {  	[smem:$0x3FBA] =	sst s10  }
0x38: {  	s10 =	sld [smem:$0x3FBB]  }
0x39: {  	_ = 	snop;
	(pc) =	sbr.ind lr, $3  }
0x3a: {  	_ = 	snop  }
0x3b: {  	_ = 	snop  }
0x3c: {  	p2 =	seq.s32 s10, $0x1;
	s10 =	sld [smem:$0x3FBA]  }
0x3d: {  	_ =	shalt  }
0x3e: {  	_ =	shalt  }
0x3f: {  	_ =	shalt  }
0x40: {  	_ =	shalt  }
0x41: {  	_ =	shalt  }
0x42: {  	_ =	shalt  }
0x43: {  	_ =	shalt  }
0x44: {  	_ =	shalt  }
0x45: {  	_ =	shalt  }
0x46: {  	_ =	shalt  }
0x47: {  	_ =	shalt  }
0x48: {  	_ =	shalt  }
0x49: {  	_ =	shalt  }
0x4a: {  	_ =	shalt  }
0x4b: {  	_ =	shalt  }
0x4c: {  	_ =	shalt  }
0x4d: {  	_ =	shalt  }
0x4e: {  	_ =	shalt  }
0x4f: {  	_ =	shalt  }
0x50: {  	_ =	shalt  }
0x51: {  	_ =	shalt  }
0x52: {  	_ =	shalt  }
0x53: {  	_ =	shalt  }
0x54: {  	_ =	shalt  }
0x55: {  	_ =	shalt  }
0x56: {  	_ =	shalt  }
0x57: {  	_ =	shalt  }
0x58: {  	_ =	shalt  }
0x59: {  	_ =	shalt  }
0x5a: {  	_ =	shalt  }
0x5b: {  	_ =	shalt  }
0x5c: {  	_ =	shalt  }
0x5d: {  	_ =	shalt  }
0x5e: {  	_ =	shalt  }
0x5f: {  	_ =	shalt  }
0x60: {  	_ =	shalt  }
0x61: {  	_ =	shalt  }
0x62: {  	_ =	shalt  }
0x63: {  	_ =	shalt  }
0x64: {  	_ =	shalt  }
0x65: {  	_ =	shalt  }
0x66: {  	_ =	shalt  }
0x67: {  	_ =	shalt  }
0x68: {  	_ =	shalt  }
0x69: {  	_ =	shalt  }
0x6a: {  	_ =	shalt  }
0x6b: {  	_ =	shalt  }
0x6c: {  	_ =	shalt  }
0x6d: {  	_ =	shalt  }
0x6e: {  	_ =	shalt  }
0x6f: {  	_ =	shalt  }
0x70: {  	_ =	shalt  }
0x71: {  	_ =	shalt  }
0x72: {  	_ =	shalt  }
0x73: {  	_ =	shalt  }
0x74: {  	_ =	shalt  }
0x75: {  	_ =	shalt  }
0x76: {  	_ =	shalt  }
0x77: {  	_ =	shalt  }
0x78: {  	_ =	shalt  }
0x79: {  	_ =	shalt  }
0x7a: {  	_ =	shalt  }
0x7b: {  	_ =	shalt  }
0x7c: {  	_ =	shalt  }
0x7d: {  	_ =	shalt  }
0x7e: {  	_ =	shalt  }
0x7f: {  	_ =	shalt  }
0x80: {  	_ =	shalt  }
0x81: {  	_ =	shalt  }
0x82: {  	_ =	shalt  }
0x83: {  	_ =	shalt  }
0x84: {  	_ =	shalt  }
0x85: {  	_ =	shalt  }
0x86: {  	_ =	shalt  }
0x87: {  	_ =	shalt  }
.Lfunc_end0:
.L_simem_size_0:
called_computation_lowered:
.L_overlay_start_0:
0x88: {  	s2 =	sld [smem:$0x3FD9]  }
0x89: {  	s3 =	sld [smem:$0x3FFE];
	_ =	sdelay $0x1  }
0x8a: {  	s1 =	srdreg.scid  }
0x8b: {  	s0 =	sand.u32 $0x1, s1  }
0x8c: {  	s18 =	sshll.u32 s0, $0xA;
	s2 =	sadd.s32 s3, s2  }
0x8d: {  	s2 =	sadd.s32 s2, s18  }
0x8e: {  	[smem:$0x3FC6] =	sst s2  }
0x8f: {  	_ = 	snop  }
0x90: {  	s2 =	sld [smem:$0x3FC9]  }
0x91: {  	s19 =	sld [smem:$0x3FC8]  }
0x92: {  	s4 =	sld [smem:$0x3FD0];
	(tm) =	ssettm $0x1  }
0x93: {  	s5 =	sld [smem:$0x3FFB];
	_ =	sdelay $0x3  }
0x94: {  	_ =	strace s5  }
0x95: {  	s5 =	sld [smem:$0x3FFC];
	_ =	sdelay $0x3  }
0x96: {  	_ =	strace s5  }
0x97: {  	s5 =	sld [smem:$0x3FFD];
	_ =	sdelay $0x3  }
0x98: {  	_ =	strace s5  }
0x99: {  	_ =	strace $0x8FFFFFFF  }
0x9a: {  	s20 =	sld [smem:$0x3FDB];
	_ =	sdelay $0x1  }
0x9b: {  	s6 =	simm.s32 $_scs_section_size  }
0x9c: {  	s7 =	simm.s32 $_size__tile_overlayer_lowered;
	s8 =	simm.s32 $_tile_overlayer_lowered  }
0x9d: {  	s23 =	simm.s32 $0x1BFF;
	s22 =	sshll.u32 s8, $0x1;
	s5 =	sadd.s32 s6, s20  }
0x9e: {  	s9 =	simm.s32 $0x0;
	s21 =	sshll.u32 s7, $0x1;
	s7 =	sadd.s32 s22, s5  }
0x9f: {  	[timem:s9], [sflag:s23] =	dma.local [hbm:s7], s21  }
0xa0: {  	_ =	swait.ge [sflag:s23], s21  }
0xa1: {  	s6 =	ssub.s32 $0x0, s21;
	[sflag:s23] =	ssyncset.done $0x0  }
0xa2: {  	[sflag:s23] =	ssyncadd.s32 s6;
	_ =	sdelay $0x1  }
0xa3: {  	s24 =	simm.s32 $0x1B8B  }
0xa4: {  	_ =	swait.ge [sflag:s24], $0x1  }
0xa5: {  	[sflag:s24] =	ssyncset.done $0x0  }
0xa6: {  	s25 =	simm.s32 $0x1B8E;
	[sflag:s24] =	ssyncadd.s32 $0xFFFFFFFF  }
0xa7: {  	s26 =	simm.s32 $execute0_lowered;
	[smem:$0x3FD2] =	sst s25  }
0xa8: {  	s6 =	sshll.u32 s26, $0x1;
	_ =	strace $0x80000046;
	[dreg:$0x1] =	wrdreg $0xFFFFFFFF  }
0xa9: {  	s28 =	simm.s32 $_size_execute0_lowered;
	s5 =	sadd.s32 s5, s6;
	[dreg:$0x0] =	wrdreg $0x0  }
0xaa: {  	s6 =	sshll.u32 s28, $0x1;
	[dreg:$0x2] =	wrdreg s5  }
0xab: {  	[dreg:$0x3] =	wrdreg s6  }
0xac: {  	[dreg:$0x4] =	wrdreg $0xC0  }
0xad: {  	_ =	task [dreg:s9], $0x5FFFF  }
0xae: {  	[dreg:$0x1] =	wrdreg $0xFFFFFFFF  }
0xaf: {  	[dreg:$0x0] =	wrdreg $0x60  }
0xb0: {  	[dreg:$0x2] =	wrdreg s2  }
0xb1: {  	[dreg:$0x3] =	wrdreg s19  }
0xb2: {  	[dreg:$0x4] =	wrdreg s4  }
0xb3: {  	[dreg:$0x5] =	wrdreg $0x9  }
0xb4: {  	_ =	task.clear_ibuf [dreg:s9], $0x6FFFF;
	_ =	strace $0x90000046  }
0xb5: {  	s29 =	simm.s32 $0x9;
	_ =	strace $0x80000048  }
0xb6: {  	_ =	swait.ge [sflag:s29], $0x1  }
0xb7: {  	[sflag:s29] =	ssyncadd.s32 $0xFFFFFFFF  }
0xb8: {  	_ =	strace $0x90000048  }
0xb9: {  	_ =	sfence  }
0xba: {  	s30 =	sld [smem:$0x0];
	_ =	sdelay $0x2  }
0xbb: {  	s31 =	sshll.u32 s1, $0xD;
	s1 =	sshrl.u32 s1, $0x2  }
0xbc: {  	s3 =	sand.u32 $0x4000, s31;
	s1 =	sadd.s32 s1, s30  }
0xbd: {  	s0 =	sor.u32 s3, s0;
	s1 =	sshll.u32 s1, $0x11  }
0xbe: {  	s0 =	sor.u32 s1, s0  }
0xbf: {  	s0 =	sadd.s32 $0x8F2B, s0  }
0xc0: {  	[sflag:s0] =	ssyncadd.remote.s32 $0x1  }
0xc1: {  	_ =	sfence.sel $0xFFFF  }
0xc2: {  	[dreg:$0x0] =	wrdreg $0xFFFFFFFF;
	(pc) =	sbr.abs _section_cstart, $3  }
0xc3: {  	[dreg:$0x1] =	wrdreg $0xFFFFFFFF  }
0xc4: {  	_ =	task.clear_ibuf [dreg:s9], $0x2FFFF;
	_ =	strace $0x9FFFFFFF  }
0xc5: {  	(tm) =	ssettm $0x7FFFFFFF  }
tec
execute0_lowered:
.L_overlay_start_1:
0x0: {  	(tag) =	ssettag $0x1  }
0x1: {  	s0 =	rddreg [dreg:$0x0]  }
0x2: {  	s2 =	rddreg [dreg:$0x1]  }
0x3: {  	s1 =	rddreg [dreg:$0x2]  }
0x4: {  	s6 =	stileid.u32;
	s4 =	srdreg.scid  }
0x5: {  	s3 =	simm.s32 $0x0;
	s25 =	simm.s32 $0x80;
	s26 =	simm.s32 $0x200  }
0x6: {  	s28 =	simm.s32 $0x2900;
	s29 =	simm.s32 $0x3100;
	s30 =	simm.s32 $0x3900  }
0x7: {  	s31 =	simm.s32 $0x4100;
	s10 =	simm.s32 $0x10100;
	s14 =	simm.s32 $0x10900  }
0x8: {  	s15 =	simm.s32 $0x11100;
	s9 =	simm.s32 $0x14100;
	s11 =	simm.s32 $0x14900  }
0x9: {  	s12 =	simm.s32 $0x15100;
	s13 =	simm.s32 $0x15900;
	s5 =	sshll.u32 s6, $0x1  }
0xa: {  	s4 =	sand.u32 $0x1, s4;
	[smem:$0x7FF] =	sst s3;
	s6 =	sshrl.u32 s6, $0x2  }
0xb: {  	s5 =	sand.u32 $0x6, s5;
	s8 =	sshll.u32 s6, $0x4;
	s6 =	sshll.u32 s6, $0x12  }
0xc: {  	_ =	strace $0x80000047;
	s21 =	ssub.s32 $0x2, s4;
	[dreg:$0xc] =	wrdreg s25  }
0xd: {  	[dreg:$0xd] =	wrdreg s26;
	s26 =	simm.s32 $0x100;
	s5 =	sor.u32 s4, s5  }
0xe: {  	s0 =	sadd.s32 s0, s8;
	s7 =	sshll.u32 s5, $0xF;
	s5 =	sshll.u32 s5, $0x7  }
0xf: {  	s25 =	simm.s32 $0x17900;
	s6 =	sor.u32 s6, s7;
	s0 =	sadd.s32 s5, s0  }
0x10: {  	s4 =	sshrl.u32 s21, $0x1;
	s16 =	sadd.s32 s1, s6;
	[dreg:$0x4] =	wrdreg s0  }
0x11: {  	s5 =	sadd.s32 $0x100, s2;
	s17 =	sadd.s32 $0x1000, s16;
	[dreg:$0xe] =	wrdreg s16  }
0x12: {  	s7 =	sadd.s32 $0x300, s2;
	s18 =	sadd.s32 $0x2000, s16;
	[dreg:$0x5] =	wrdreg s17  }
0x13: {  	s1 =	ssub.s32 s21, s4;
	s19 =	sadd.s32 $0x3000, s16;
	[dreg:$0x6] =	wrdreg s18  }
0x14: {  	s6 =	sadd.s32 $0x200, s2;
	s20 =	sadd.s32 $0x4000, s16;
	[dreg:$0x7] =	wrdreg s19  }
0x15: {  	s4 =	simm.s32 $0x13900;
	s22 =	sadd.s32 $0x5000, s16;
	[dreg:$0x8] =	wrdreg s20  }
0x16: {  	s23 =	sadd.s32 $0x6000, s16;
	s24 =	sadd.s32 $0x7000, s16;
	[dreg:$0x9] =	wrdreg s22  }
0x17: {  	v2 =	vlaneseq.u32;
	s8 =	smax.u32 s1, $0x1;
	s16 =	simm.s32 $0x11900;
	[dreg:$0xa] =	wrdreg s23  }
0x18: {  	vm0 =	vmmov $0xffff;
	v1 =	vshrl.u32 v2, $0x3;
	[dreg:$0xb] =	wrdreg s24;
	s18 =	simm.s32 $0x1;
	s20 =	simm.s32 $0x2  }
0x19: {  	v0 =	vand.u32 $0x7, v2;
	v2 =	vor.u32 $0x8, v2;
	v1 =	vmul.u32 $0x8, v1;
	s17 =	simm.s32 $0x12100;
	s19 =	simm.s32 $0x12900;
	s24 =	simm.s32 $0x17100  }
.LBB2_1:
0x1a: {  	s21 =	rddreg [dreg:$0x4]  }
0x1b: {  	s22 =	rddreg [dreg:$0xc]  }
0x1c: {  	s23 =	rddreg [dreg:$0xd]  }
0x1d: {  	[tilespmem:s3], [sflag:$0x3] =	stream.strided.gather [hbm4b:s21+s22], $0x100, s23, s22, $0x38;
	[tilespmem:$0x18100] =	vst v63  }
0x1e: {  	s22 =	simm.s32 $0x3  }
0x1f: {  	_ =	swait.ge [sflag:s22], $0x100  }
0x20: {  	[sflag:s22] =	ssyncset.done $0x0  }
0x21: {  	[sflag:s22] =	ssyncadd.s32 $0xFFFFFF00  }
0x22: {  	v3 =	vld [tilespmem:$0x0];
	_ =	sdelay $0x4  }
0x23: {  	v4 =	vshll.u32 v3, $0x3  }
0x24: {  	v3 =	vand.u32 $0x7, v3;
	v4 =	vand.u32 $0xFFFFFFC0, v4  }
0x25: {  	v3 =	vor.u32 v3, v4  }
0x26: {  	v4 =	vperm.xlane v3, v0;
	_ =	sdelay $0x1  }
0x27: {  	v4 =	vadd.s32 v1, v4;
	_ =	sdelay $0x4  }
0x28: {  	[tilespmem:s26], [sflag:$0x1] =	stream.indirect_vreg.gather [hbm4b:s2+s3], $0x80, v4, vm0, $0xb8;
	[tilespmem:$0x18100] =	vst v63  }
0x29: {  	s0 =	simm.s32 $0x900;
	v3 =	vperm.xlane v3, v2  }
0x2a: {  	[tilespmem:s0], [sflag:$0x1] =	stream.indirect_vreg.gather [hbm4b:s5+s3], $0x80, v4, vm0, $0xb8;
	[tilespmem:$0x18100] =	vst v63  }
0x2b: {  	s23 =	simm.s32 $0x1100;
	v3 =	vadd.s32 v1, v3  }
0x2c: {  	[tilespmem:s23], [sflag:$0x1] =	stream.indirect_vreg.gather [hbm4b:s6+s3], $0x80, v4, vm0, $0xb8;
	[tilespmem:$0x18100] =	vst v63  }
0x2d: {  	s1 =	simm.s32 $0x1900  }
0x2e: {  	[tilespmem:s1], [sflag:$0x1] =	stream.indirect_vreg.gather [hbm4b:s7+s3], $0x80, v4, vm0, $0xb8;
	[tilespmem:$0x18100] =	vst v63  }
0x2f: {  	s21 =	simm.s32 $0x2100  }
0x30: {  	[tilespmem:s21], [sflag:$0x1] =	stream.indirect_vreg.gather [hbm4b:s2+s3], $0x80, v3, vm0, $0xb8;
	[tilespmem:$0x18100] =	vst v63  }
0x31: {  	_ = 	snop  }
0x32: {  	[tilespmem:s28], [sflag:$0x1] =	stream.indirect_vreg.gather [hbm4b:s5+s3], $0x80, v3, vm0, $0xb8;
	[tilespmem:$0x18100] =	vst v63  }
0x33: {  	_ = 	snop  }
0x34: {  	[tilespmem:s29], [sflag:$0x1] =	stream.indirect_vreg.gather [hbm4b:s6+s3], $0x80, v3, vm0, $0xb8;
	[tilespmem:$0x18100] =	vst v63  }
0x35: {  	_ = 	snop  }
0x36: {  	[tilespmem:s30], [sflag:$0x1] =	stream.indirect_vreg.gather [hbm4b:s7+s3], $0x80, v3, vm0, $0xb8;
	[tilespmem:$0x18100] =	vst v63  }
0x37: {  	v3 =	vld [tilespmem:$0x10];
	_ =	sdelay $0x4  }
0x38: {  	v49 =	vshll.u32 v3, $0x3  }
0x39: {  	v3 =	vand.u32 $0x7, v3;
	v4 =	vand.u32 $0xFFFFFFC0, v49  }
0x3a: {  	v3 =	vor.u32 v3, v4  }
0x3b: {  	v4 =	vperm.xlane v3, v0;
	_ =	sdelay $0x1  }
0x3c: {  	v4 =	vadd.s32 v1, v4;
	_ =	sdelay $0x4  }
0x3d: {  	[tilespmem:s31], [sflag:$0x1] =	stream.indirect_vreg.gather [hbm4b:s2+s3], $0x80, v4, vm0, $0xb8;
	[tilespmem:$0x18100] =	vst v63  }
0x3e: {  	s22 =	simm.s32 $0x4900;
	v3 =	vperm.xlane v3, v2  }
0x3f: {  	[tilespmem:s22], [sflag:$0x1] =	stream.indirect_vreg.gather [hbm4b:s5+s3], $0x80, v4, vm0, $0xb8;
	[tilespmem:$0x18100] =	vst v63  }
0x40: {  	s23 =	simm.s32 $0x5100;
	v3 =	vadd.s32 v1, v3  }
0x41: {  	[tilespmem:s23], [sflag:$0x1] =	stream.indirect_vreg.gather [hbm4b:s6+s3], $0x80, v4, vm0, $0xb8;
	[tilespmem:$0x18100] =	vst v63  }
0x42: {  	s1 =	simm.s32 $0x5900  }
0x43: {  	[tilespmem:s1], [sflag:$0x1] =	stream.indirect_vreg.gather [hbm4b:s7+s3], $0x80, v4, vm0, $0xb8;
	[tilespmem:$0x18100] =	vst v63  }
0x44: {  	s21 =	simm.s32 $0x6100  }
0x45: {  	[tilespmem:s21], [sflag:$0x1] =	stream.indirect_vreg.gather [hbm4b:s2+s3], $0x80, v3, vm0, $0xb8;
	[tilespmem:$0x18100] =	vst v63  }
0x46: {  	s22 =	simm.s32 $0x6900  }
0x47: {  	[tilespmem:s22], [sflag:$0x1] =	stream.indirect_vreg.gather [hbm4b:s5+s3], $0x80, v3, vm0, $0xb8;
	[tilespmem:$0x18100] =	vst v63  }
0x48: {  	s23 =	simm.s32 $0x7100  }
0x49: {  	[tilespmem:s23], [sflag:$0x1] =	stream.indirect_vreg.gather [hbm4b:s6+s3], $0x80, v3, vm0, $0xb8;
	[tilespmem:$0x18100] =	vst v63  }
0x4a: {  	s1 =	simm.s32 $0x7900  }
0x4b: {  	[tilespmem:s1], [sflag:$0x1] =	stream.indirect_vreg.gather [hbm4b:s7+s3], $0x80, v3, vm0, $0xb8;
	[tilespmem:$0x18100] =	vst v63  }
0x4c: {  	v3 =	vld [tilespmem:$0x20];
	_ =	sdelay $0x4  }
0x4d: {  	v50 =	vshll.u32 v3, $0x3  }
0x4e: {  	v3 =	vand.u32 $0x7, v3;
	v4 =	vand.u32 $0xFFFFFFC0, v50  }
0x4f: {  	v3 =	vor.u32 v3, v4  }
0x50: {  	v4 =	vperm.xlane v3, v0;
	_ =	sdelay $0x1  }
0x51: {  	v4 =	vadd.s32 v1, v4;
	_ =	sdelay $0x3  }
0x52: {  	s0 =	simm.s32 $0x8100  }
0x53: {  	[tilespmem:s0], [sflag:$0x1] =	stream.indirect_vreg.gather [hbm4b:s2+s3], $0x80, v4, vm0, $0xb8;
	[tilespmem:$0x18100] =	vst v63  }
0x54: {  	s1 =	simm.s32 $0x8900;
	v3 =	vperm.xlane v3, v2  }
0x55: {  	[tilespmem:s1], [sflag:$0x1] =	stream.indirect_vreg.gather [hbm4b:s5+s3], $0x80, v4, vm0, $0xb8;
	[tilespmem:$0x18100] =	vst v63  }
0x56: {  	s21 =	simm.s32 $0x9100;
	v3 =	vadd.s32 v1, v3  }
0x57: {  	[tilespmem:s21], [sflag:$0x1] =	stream.indirect_vreg.gather [hbm4b:s6+s3], $0x80, v4, vm0, $0xb8;
	[tilespmem:$0x18100] =	vst v63  }
0x58: {  	s22 =	simm.s32 $0x9900  }
0x59: {  	[tilespmem:s22], [sflag:$0x1] =	stream.indirect_vreg.gather [hbm4b:s7+s3], $0x80, v4, vm0, $0xb8;
	[tilespmem:$0x18100] =	vst v63  }
0x5a: {  	s23 =	simm.s32 $0xA100  }
0x5b: {  	[tilespmem:s23], [sflag:$0x1] =	stream.indirect_vreg.gather [hbm4b:s2+s3], $0x80, v3, vm0, $0xb8;
	[tilespmem:$0x18100] =	vst v63  }
0x5c: {  	s21 =	simm.s32 $0xA900  }
0x5d: {  	[tilespmem:s21], [sflag:$0x1] =	stream.indirect_vreg.gather [hbm4b:s5+s3], $0x80, v3, vm0, $0xb8;
	[tilespmem:$0x18100] =	vst v63  }
0x5e: {  	s22 =	simm.s32 $0xB100  }
0x5f: {  	[tilespmem:s22], [sflag:$0x1] =	stream.indirect_vreg.gather [hbm4b:s6+s3], $0x80, v3, vm0, $0xb8;
	[tilespmem:$0x18100] =	vst v63  }
0x60: {  	s23 =	simm.s32 $0xB900  }
0x61: {  	[tilespmem:s23], [sflag:$0x1] =	stream.indirect_vreg.gather [hbm4b:s7+s3], $0x80, v3, vm0, $0xb8;
	[tilespmem:$0x18100] =	vst v63  }
0x62: {  	v3 =	vld [tilespmem:$0x30];
	_ =	sdelay $0x4  }
0x63: {  	v51 =	vshll.u32 v3, $0x3  }
0x64: {  	v3 =	vand.u32 $0x7, v3;
	v4 =	vand.u32 $0xFFFFFFC0, v51  }
0x65: {  	v3 =	vor.u32 v3, v4  }
0x66: {  	v4 =	vperm.xlane v3, v0;
	_ =	sdelay $0x1  }
0x67: {  	v4 =	vadd.s32 v1, v4;
	_ =	sdelay $0x3  }
0x68: {  	s21 =	simm.s32 $0xC100  }
0x69: {  	[tilespmem:s21], [sflag:$0x1] =	stream.indirect_vreg.gather [hbm4b:s2+s3], $0x80, v4, vm0, $0xb8;
	[tilespmem:$0x18100] =	vst v63  }
0x6a: {  	s22 =	simm.s32 $0xC900;
	v3 =	vperm.xlane v3, v2  }
0x6b: {  	[tilespmem:s22], [sflag:$0x1] =	stream.indirect_vreg.gather [hbm4b:s5+s3], $0x80, v4, vm0, $0xb8;
	[tilespmem:$0x18100] =	vst v63  }
0x6c: {  	s23 =	simm.s32 $0xD100;
	v3 =	vadd.s32 v1, v3  }
0x6d: {  	[tilespmem:s23], [sflag:$0x1] =	stream.indirect_vreg.gather [hbm4b:s6+s3], $0x80, v4, vm0, $0xb8;
	[tilespmem:$0x18100] =	vst v63  }
0x6e: {  	s21 =	simm.s32 $0xD900  }
0x6f: {  	[tilespmem:s21], [sflag:$0x1] =	stream.indirect_vreg.gather [hbm4b:s7+s3], $0x80, v4, vm0, $0xb8;
	[tilespmem:$0x18100] =	vst v63  }
0x70: {  	s22 =	simm.s32 $0xE100  }
0x71: {  	[tilespmem:s22], [sflag:$0x1] =	stream.indirect_vreg.gather [hbm4b:s2+s3], $0x80, v3, vm0, $0xb8;
	[tilespmem:$0x18100] =	vst v63  }
0x72: {  	s23 =	simm.s32 $0xE900  }
0x73: {  	[tilespmem:s23], [sflag:$0x1] =	stream.indirect_vreg.gather [hbm4b:s5+s3], $0x80, v3, vm0, $0xb8;
	[tilespmem:$0x18100] =	vst v63  }
0x74: {  	s21 =	simm.s32 $0xF100  }
0x75: {  	[tilespmem:s21], [sflag:$0x1] =	stream.indirect_vreg.gather [hbm4b:s6+s3], $0x80, v3, vm0, $0xb8;
	[tilespmem:$0x18100] =	vst v63  }
0x76: {  	s22 =	simm.s32 $0xF900  }
0x77: {  	[tilespmem:s22], [sflag:$0x1] =	stream.indirect_vreg.gather [hbm4b:s7+s3], $0x80, v3, vm0, $0xb8;
	[tilespmem:$0x18100] =	vst v63  }
0x78: {  	_ =	swait.ge [sflag:s18], $0x8000  }
0x79: {  	[sflag:s18] =	ssyncset.done $0x0  }
0x7a: {  	s23 =	rddreg [dreg:$0xe];
	[sflag:s18] =	ssyncadd.s32 $0xFFFF8000  }
0x7b: {  	[hbm4b:s23+s3] =	stream.linear.scatter [tilespmem:s26], [sflag:$0x2], $0x8000, $0x38;
	[tilespmem:$0x18100] =	vst v63  }
0x7c: {  	v3 =	vld [tilespmem:$0x40];
	_ =	sdelay $0x4  }
0x7d: {  	v52 =	vshll.u32 v3, $0x3  }
0x7e: {  	v3 =	vand.u32 $0x7, v3;
	v4 =	vand.u32 $0xFFFFFFC0, v52  }
0x7f: {  	v3 =	vor.u32 v3, v4  }
0x80: {  	v4 =	vperm.xlane v3, v0;
	_ =	sdelay $0x1  }
0x81: {  	v4 =	vadd.s32 v1, v4;
	_ =	sdelay $0x4  }
0x82: {  	[tilespmem:s10], [sflag:$0x1] =	stream.indirect_vreg.gather [hbm4b:s2+s3], $0x80, v4, vm0, $0xb8;
	[tilespmem:$0x18100] =	vst v63  }
0x83: {  	v3 =	vperm.xlane v3, v2  }
0x84: {  	[tilespmem:s14], [sflag:$0x1] =	stream.indirect_vreg.gather [hbm4b:s5+s3], $0x80, v4, vm0, $0xb8;
	[tilespmem:$0x18100] =	vst v63  }
0x85: {  	v3 =	vadd.s32 v1, v3  }
0x86: {  	[tilespmem:s15], [sflag:$0x1] =	stream.indirect_vreg.gather [hbm4b:s6+s3], $0x80, v4, vm0, $0xb8;
	[tilespmem:$0x18100] =	vst v63  }
0x87: {  	_ = 	snop  }
0x88: {  	[tilespmem:s16], [sflag:$0x1] =	stream.indirect_vreg.gather [hbm4b:s7+s3], $0x80, v4, vm0, $0xb8;
	[tilespmem:$0x18100] =	vst v63  }
0x89: {  	_ = 	snop  }
0x8a: {  	[tilespmem:s17], [sflag:$0x1] =	stream.indirect_vreg.gather [hbm4b:s2+s3], $0x80, v3, vm0, $0xb8;
	[tilespmem:$0x18100] =	vst v63  }
0x8b: {  	_ = 	snop  }
0x8c: {  	[tilespmem:s19], [sflag:$0x1] =	stream.indirect_vreg.gather [hbm4b:s5+s3], $0x80, v3, vm0, $0xb8;
	[tilespmem:$0x18100] =	vst v63  }
0x8d: {  	s1 =	simm.s32 $0x13100  }
0x8e: {  	[tilespmem:s1], [sflag:$0x1] =	stream.indirect_vreg.gather [hbm4b:s6+s3], $0x80, v3, vm0, $0xb8;
	[tilespmem:$0x18100] =	vst v63  }
0x8f: {  	_ = 	snop  }
0x90: {  	[tilespmem:s4], [sflag:$0x1] =	stream.indirect_vreg.gather [hbm4b:s7+s3], $0x80, v3, vm0, $0xb8;
	[tilespmem:$0x18100] =	vst v63  }
0x91: {  	v3 =	vld [tilespmem:$0x50];
	_ =	sdelay $0x4  }
0x92: {  	v53 =	vshll.u32 v3, $0x3  }
0x93: {  	v3 =	vand.u32 $0x7, v3;
	v4 =	vand.u32 $0xFFFFFFC0, v53  }
0x94: {  	v3 =	vor.u32 v3, v4  }
0x95: {  	v4 =	vperm.xlane v3, v0;
	_ =	sdelay $0x1  }
0x96: {  	v4 =	vadd.s32 v1, v4;
	_ =	sdelay $0x4  }
0x97: {  	[tilespmem:s9], [sflag:$0x1] =	stream.indirect_vreg.gather [hbm4b:s2+s3], $0x80, v4, vm0, $0xb8;
	[tilespmem:$0x18100] =	vst v63  }
0x98: {  	v3 =	vperm.xlane v3, v2  }
0x99: {  	[tilespmem:s11], [sflag:$0x1] =	stream.indirect_vreg.gather [hbm4b:s5+s3], $0x80, v4, vm0, $0xb8;
	[tilespmem:$0x18100] =	vst v63  }
0x9a: {  	v3 =	vadd.s32 v1, v3  }
0x9b: {  	[tilespmem:s12], [sflag:$0x1] =	stream.indirect_vreg.gather [hbm4b:s6+s3], $0x80, v4, vm0, $0xb8;
	[tilespmem:$0x18100] =	vst v63  }
0x9c: {  	_ = 	snop  }
0x9d: {  	[tilespmem:s13], [sflag:$0x1] =	stream.indirect_vreg.gather [hbm4b:s7+s3], $0x80, v4, vm0, $0xb8;
	[tilespmem:$0x18100] =	vst v63  }
0x9e: {  	s22 =	simm.s32 $0x16100  }
0x9f: {  	[tilespmem:s22], [sflag:$0x1] =	stream.indirect_vreg.gather [hbm4b:s2+s3], $0x80, v3, vm0, $0xb8;
	[tilespmem:$0x18100] =	vst v63  }
0xa0: {  	s23 =	simm.s32 $0x16900  }
0xa1: {  	[tilespmem:s23], [sflag:$0x1] =	stream.indirect_vreg.gather [hbm4b:s5+s3], $0x80, v3, vm0, $0xb8;
	[tilespmem:$0x18100] =	vst v63  }
0xa2: {  	_ = 	snop  }
0xa3: {  	[tilespmem:s24], [sflag:$0x1] =	stream.indirect_vreg.gather [hbm4b:s6+s3], $0x80, v3, vm0, $0xb8;
	[tilespmem:$0x18100] =	vst v63  }
0xa4: {  	_ = 	snop  }
0xa5: {  	[tilespmem:s25], [sflag:$0x1] =	stream.indirect_vreg.gather [hbm4b:s7+s3], $0x80, v3, vm0, $0xb8;
	[tilespmem:$0x18100] =	vst v63  }
0xa6: {  	_ =	swait.ge [sflag:s18], $0x8000  }
0xa7: {  	[sflag:s18] =	ssyncset.done $0x0  }
0xa8: {  	s21 =	rddreg [dreg:$0x5];
	[sflag:s18] =	ssyncadd.s32 $0xFFFF8000  }
0xa9: {  	[hbm4b:s21+s3] =	stream.linear.scatter [tilespmem:s0], [sflag:$0x2], $0x8000, $0x38;
	[tilespmem:$0x18100] =	vst v63  }
0xaa: {  	_ =	swait.ge [sflag:s20], $0x8000  }
0xab: {  	[sflag:s20] =	ssyncset.done $0x0  }
0xac: {  	[sflag:s20] =	ssyncadd.s32 $0xFFFF8000  }
0xad: {  	v3 =	vld [tilespmem:$0x60];
	_ =	sdelay $0x4  }
0xae: {  	v54 =	vshll.u32 v3, $0x3  }
0xaf: {  	v3 =	vand.u32 $0x7, v3;
	v4 =	vand.u32 $0xFFFFFFC0, v54  }
0xb0: {  	v3 =	vor.u32 v3, v4  }
0xb1: {  	v4 =	vperm.xlane v3, v0;
	_ =	sdelay $0x1  }
0xb2: {  	v4 =	vadd.s32 v1, v4;
	_ =	sdelay $0x4  }
0xb3: {  	[tilespmem:s26], [sflag:$0x1] =	stream.indirect_vreg.gather [hbm4b:s2+s3], $0x80, v4, vm0, $0xb8;
	[tilespmem:$0x18100] =	vst v63  }
0xb4: {  	s21 =	simm.s32 $0x900;
	v3 =	vperm.xlane v3, v2  }
0xb5: {  	[tilespmem:s21], [sflag:$0x1] =	stream.indirect_vreg.gather [hbm4b:s5+s3], $0x80, v4, vm0, $0xb8;
	[tilespmem:$0x18100] =	vst v63  }
0xb6: {  	v3 =	vadd.s32 v1, v3;
	s21 =	simm.s32 $0x1100  }
0xb7: {  	[tilespmem:s21], [sflag:$0x1] =	stream.indirect_vreg.gather [hbm4b:s6+s3], $0x80, v4, vm0, $0xb8;
	[tilespmem:$0x18100] =	vst v63  }
0xb8: {  	s21 =	simm.s32 $0x1900  }
0xb9: {  	[tilespmem:s21], [sflag:$0x1] =	stream.indirect_vreg.gather [hbm4b:s7+s3], $0x80, v4, vm0, $0xb8;
	[tilespmem:$0x18100] =	vst v63  }
0xba: {  	s21 =	simm.s32 $0x2100  }
0xbb: {  	[tilespmem:s21], [sflag:$0x1] =	stream.indirect_vreg.gather [hbm4b:s2+s3], $0x80, v3, vm0, $0xb8;
	[tilespmem:$0x18100] =	vst v63  }
0xbc: {  	_ = 	snop  }
0xbd: {  	[tilespmem:s28], [sflag:$0x1] =	stream.indirect_vreg.gather [hbm4b:s5+s3], $0x80, v3, vm0, $0xb8;
	[tilespmem:$0x18100] =	vst v63  }
0xbe: {  	_ = 	snop  }
0xbf: {  	[tilespmem:s29], [sflag:$0x1] =	stream.indirect_vreg.gather [hbm4b:s6+s3], $0x80, v3, vm0, $0xb8;
	[tilespmem:$0x18100] =	vst v63  }
0xc0: {  	_ = 	snop  }
0xc1: {  	[tilespmem:s30], [sflag:$0x1] =	stream.indirect_vreg.gather [hbm4b:s7+s3], $0x80, v3, vm0, $0xb8;
	[tilespmem:$0x18100] =	vst v63  }
0xc2: {  	v3 =	vld [tilespmem:$0x70];
	_ =	sdelay $0x4  }
0xc3: {  	v55 =	vshll.u32 v3, $0x3  }
0xc4: {  	v3 =	vand.u32 $0x7, v3;
	v4 =	vand.u32 $0xFFFFFFC0, v55  }
0xc5: {  	v3 =	vor.u32 v3, v4  }
0xc6: {  	v4 =	vperm.xlane v3, v0;
	_ =	sdelay $0x1  }
0xc7: {  	v4 =	vadd.s32 v1, v4;
	_ =	sdelay $0x4  }
0xc8: {  	[tilespmem:s31], [sflag:$0x1] =	stream.indirect_vreg.gather [hbm4b:s2+s3], $0x80, v4, vm0, $0xb8;
	[tilespmem:$0x18100] =	vst v63  }
0xc9: {  	s21 =	simm.s32 $0x4900;
	v3 =	vperm.xlane v3, v2  }
0xca: {  	[tilespmem:s21], [sflag:$0x1] =	stream.indirect_vreg.gather [hbm4b:s5+s3], $0x80, v4, vm0, $0xb8;
	[tilespmem:$0x18100] =	vst v63  }
0xcb: {  	v3 =	vadd.s32 v1, v3;
	s21 =	simm.s32 $0x5100  }
0xcc: {  	[tilespmem:s21], [sflag:$0x1] =	stream.indirect_vreg.gather [hbm4b:s6+s3], $0x80, v4, vm0, $0xb8;
	[tilespmem:$0x18100] =	vst v63  }
0xcd: {  	s21 =	simm.s32 $0x5900  }
0xce: {  	[tilespmem:s21], [sflag:$0x1] =	stream.indirect_vreg.gather [hbm4b:s7+s3], $0x80, v4, vm0, $0xb8;
	[tilespmem:$0x18100] =	vst v63  }
0xcf: {  	s21 =	simm.s32 $0x6100  }
0xd0: {  	[tilespmem:s21], [sflag:$0x1] =	stream.indirect_vreg.gather [hbm4b:s2+s3], $0x80, v3, vm0, $0xb8;
	[tilespmem:$0x18100] =	vst v63  }
0xd1: {  	s21 =	simm.s32 $0x6900  }
0xd2: {  	[tilespmem:s21], [sflag:$0x1] =	stream.indirect_vreg.gather [hbm4b:s5+s3], $0x80, v3, vm0, $0xb8;
	[tilespmem:$0x18100] =	vst v63  }
0xd3: {  	s21 =	simm.s32 $0x7100  }
0xd4: {  	[tilespmem:s21], [sflag:$0x1] =	stream.indirect_vreg.gather [hbm4b:s6+s3], $0x80, v3, vm0, $0xb8;
	[tilespmem:$0x18100] =	vst v63  }
0xd5: {  	s21 =	simm.s32 $0x7900  }
0xd6: {  	[tilespmem:s21], [sflag:$0x1] =	stream.indirect_vreg.gather [hbm4b:s7+s3], $0x80, v3, vm0, $0xb8;
	[tilespmem:$0x18100] =	vst v63  }
0xd7: {  	_ =	swait.ge [sflag:s18], $0x8000  }
0xd8: {  	[sflag:s18] =	ssyncset.done $0x0  }
0xd9: {  	s21 =	rddreg [dreg:$0x6];
	[sflag:s18] =	ssyncadd.s32 $0xFFFF8000  }
0xda: {  	[hbm4b:s21+s3] =	stream.linear.scatter [tilespmem:s10], [sflag:$0x2], $0x8000, $0x38;
	[tilespmem:$0x18100] =	vst v63  }
0xdb: {  	_ =	swait.ge [sflag:s20], $0x8000  }
0xdc: {  	[sflag:s20] =	ssyncset.done $0x0  }
0xdd: {  	[sflag:s20] =	ssyncadd.s32 $0xFFFF8000  }
0xde: {  	v3 =	vld [tilespmem:$0x80];
	_ =	sdelay $0x4  }
0xdf: {  	v56 =	vshll.u32 v3, $0x3  }
0xe0: {  	v3 =	vand.u32 $0x7, v3;
	v4 =	vand.u32 $0xFFFFFFC0, v56  }
0xe1: {  	v3 =	vor.u32 v3, v4  }
0xe2: {  	v4 =	vperm.xlane v3, v0;
	_ =	sdelay $0x1  }
0xe3: {  	v4 =	vadd.s32 v1, v4;
	_ =	sdelay $0x4  }
0xe4: {  	[tilespmem:s0], [sflag:$0x1] =	stream.indirect_vreg.gather [hbm4b:s2+s3], $0x80, v4, vm0, $0xb8;
	[tilespmem:$0x18100] =	vst v63  }
0xe5: {  	s21 =	simm.s32 $0x8900;
	v3 =	vperm.xlane v3, v2  }
0xe6: {  	[tilespmem:s21], [sflag:$0x1] =	stream.indirect_vreg.gather [hbm4b:s5+s3], $0x80, v4, vm0, $0xb8;
	[tilespmem:$0x18100] =	vst v63  }
0xe7: {  	v3 =	vadd.s32 v1, v3;
	s21 =	simm.s32 $0x9100  }
0xe8: {  	[tilespmem:s21], [sflag:$0x1] =	stream.indirect_vreg.gather [hbm4b:s6+s3], $0x80, v4, vm0, $0xb8;
	[tilespmem:$0x18100] =	vst v63  }
0xe9: {  	s21 =	simm.s32 $0x9900  }
0xea: {  	[tilespmem:s21], [sflag:$0x1] =	stream.indirect_vreg.gather [hbm4b:s7+s3], $0x80, v4, vm0, $0xb8;
	[tilespmem:$0x18100] =	vst v63  }
0xeb: {  	s21 =	simm.s32 $0xA100  }
0xec: {  	[tilespmem:s21], [sflag:$0x1] =	stream.indirect_vreg.gather [hbm4b:s2+s3], $0x80, v3, vm0, $0xb8;
	[tilespmem:$0x18100] =	vst v63  }
0xed: {  	s21 =	simm.s32 $0xA900  }
0xee: {  	[tilespmem:s21], [sflag:$0x1] =	stream.indirect_vreg.gather [hbm4b:s5+s3], $0x80, v3, vm0, $0xb8;
	[tilespmem:$0x18100] =	vst v63  }
0xef: {  	s21 =	simm.s32 $0xB100  }
0xf0: {  	[tilespmem:s21], [sflag:$0x1] =	stream.indirect_vreg.gather [hbm4b:s6+s3], $0x80, v3, vm0, $0xb8;
	[tilespmem:$0x18100] =	vst v63  }
0xf1: {  	s21 =	simm.s32 $0xB900  }
0xf2: {  	[tilespmem:s21], [sflag:$0x1] =	stream.indirect_vreg.gather [hbm4b:s7+s3], $0x80, v3, vm0, $0xb8;
	[tilespmem:$0x18100] =	vst v63  }
0xf3: {  	v3 =	vld [tilespmem:$0x90];
	_ =	sdelay $0x4  }
0xf4: {  	v57 =	vshll.u32 v3, $0x3  }
0xf5: {  	v3 =	vand.u32 $0x7, v3;
	v4 =	vand.u32 $0xFFFFFFC0, v57  }
0xf6: {  	v3 =	vor.u32 v3, v4  }
0xf7: {  	v4 =	vperm.xlane v3, v0;
	_ =	sdelay $0x1  }
0xf8: {  	v4 =	vadd.s32 v1, v4;
	_ =	sdelay $0x3  }
0xf9: {  	s21 =	simm.s32 $0xC100  }
0xfa: {  	[tilespmem:s21], [sflag:$0x1] =	stream.indirect_vreg.gather [hbm4b:s2+s3], $0x80, v4, vm0, $0xb8;
	[tilespmem:$0x18100] =	vst v63  }
0xfb: {  	v3 =	vperm.xlane v3, v2;
	s21 =	simm.s32 $0xC900  }
0xfc: {  	[tilespmem:s21], [sflag:$0x1] =	stream.indirect_vreg.gather [hbm4b:s5+s3], $0x80, v4, vm0, $0xb8;
	[tilespmem:$0x18100] =	vst v63  }
0xfd: {  	v3 =	vadd.s32 v1, v3;
	s21 =	simm.s32 $0xD100  }
0xfe: {  	[tilespmem:s21], [sflag:$0x1] =	stream.indirect_vreg.gather [hbm4b:s6+s3], $0x80, v4, vm0, $0xb8;
	[tilespmem:$0x18100] =	vst v63  }
0xff: {  	s21 =	simm.s32 $0xD900  }
0x100: {  	[tilespmem:s21], [sflag:$0x1] =	stream.indirect_vreg.gather [hbm4b:s7+s3], $0x80, v4, vm0, $0xb8;
	[tilespmem:$0x18100] =	vst v63  }
0x101: {  	s21 =	simm.s32 $0xE100  }
0x102: {  	[tilespmem:s21], [sflag:$0x1] =	stream.indirect_vreg.gather [hbm4b:s2+s3], $0x80, v3, vm0, $0xb8;
	[tilespmem:$0x18100] =	vst v63  }
0x103: {  	s21 =	simm.s32 $0xE900  }
0x104: {  	[tilespmem:s21], [sflag:$0x1] =	stream.indirect_vreg.gather [hbm4b:s5+s3], $0x80, v3, vm0, $0xb8;
	[tilespmem:$0x18100] =	vst v63  }
0x105: {  	s21 =	simm.s32 $0xF100  }
0x106: {  	[tilespmem:s21], [sflag:$0x1] =	stream.indirect_vreg.gather [hbm4b:s6+s3], $0x80, v3, vm0, $0xb8;
	[tilespmem:$0x18100] =	vst v63  }
0x107: {  	s21 =	simm.s32 $0xF900  }
0x108: {  	[tilespmem:s21], [sflag:$0x1] =	stream.indirect_vreg.gather [hbm4b:s7+s3], $0x80, v3, vm0, $0xb8;
	[tilespmem:$0x18100] =	vst v63  }
0x109: {  	_ =	swait.ge [sflag:s18], $0x8000  }
0x10a: {  	[sflag:s18] =	ssyncset.done $0x0  }
0x10b: {  	s21 =	rddreg [dreg:$0x7];
	[sflag:s18] =	ssyncadd.s32 $0xFFFF8000  }
0x10c: {  	[hbm4b:s21+s3] =	stream.linear.scatter [tilespmem:s26], [sflag:$0x2], $0x8000, $0x38;
	[tilespmem:$0x18100] =	vst v63  }
0x10d: {  	_ =	swait.ge [sflag:s20], $0x8000  }
0x10e: {  	[sflag:s20] =	ssyncset.done $0x0  }
0x10f: {  	[sflag:s20] =	ssyncadd.s32 $0xFFFF8000  }
0x110: {  	v3 =	vld [tilespmem:$0xA0];
	_ =	sdelay $0x4  }
0x111: {  	v58 =	vshll.u32 v3, $0x3  }
0x112: {  	v3 =	vand.u32 $0x7, v3;
	v4 =	vand.u32 $0xFFFFFFC0, v58  }
0x113: {  	v3 =	vor.u32 v3, v4  }
0x114: {  	v4 =	vperm.xlane v3, v0;
	_ =	sdelay $0x1  }
0x115: {  	v4 =	vadd.s32 v1, v4;
	_ =	sdelay $0x4  }
0x116: {  	[tilespmem:s10], [sflag:$0x1] =	stream.indirect_vreg.gather [hbm4b:s2+s3], $0x80, v4, vm0, $0xb8;
	[tilespmem:$0x18100] =	vst v63  }
0x117: {  	v3 =	vperm.xlane v3, v2  }
0x118: {  	[tilespmem:s14], [sflag:$0x1] =	stream.indirect_vreg.gather [hbm4b:s5+s3], $0x80, v4, vm0, $0xb8;
	[tilespmem:$0x18100] =	vst v63  }
0x119: {  	v3 =	vadd.s32 v1, v3  }
0x11a: {  	[tilespmem:s15], [sflag:$0x1] =	stream.indirect_vreg.gather [hbm4b:s6+s3], $0x80, v4, vm0, $0xb8;
	[tilespmem:$0x18100] =	vst v63  }
0x11b: {  	_ = 	snop  }
0x11c: {  	[tilespmem:s16], [sflag:$0x1] =	stream.indirect_vreg.gather [hbm4b:s7+s3], $0x80, v4, vm0, $0xb8;
	[tilespmem:$0x18100] =	vst v63  }
0x11d: {  	_ = 	snop  }
0x11e: {  	[tilespmem:s17], [sflag:$0x1] =	stream.indirect_vreg.gather [hbm4b:s2+s3], $0x80, v3, vm0, $0xb8;
	[tilespmem:$0x18100] =	vst v63  }
0x11f: {  	_ = 	snop  }
0x120: {  	[tilespmem:s19], [sflag:$0x1] =	stream.indirect_vreg.gather [hbm4b:s5+s3], $0x80, v3, vm0, $0xb8;
	[tilespmem:$0x18100] =	vst v63  }
0x121: {  	_ = 	snop  }
0x122: {  	[tilespmem:s1], [sflag:$0x1] =	stream.indirect_vreg.gather [hbm4b:s6+s3], $0x80, v3, vm0, $0xb8;
	[tilespmem:$0x18100] =	vst v63  }
0x123: {  	_ = 	snop  }
0x124: {  	[tilespmem:s4], [sflag:$0x1] =	stream.indirect_vreg.gather [hbm4b:s7+s3], $0x80, v3, vm0, $0xb8;
	[tilespmem:$0x18100] =	vst v63  }
0x125: {  	v3 =	vld [tilespmem:$0xB0];
	_ =	sdelay $0x4  }
0x126: {  	v59 =	vshll.u32 v3, $0x3  }
0x127: {  	v3 =	vand.u32 $0x7, v3;
	v4 =	vand.u32 $0xFFFFFFC0, v59  }
0x128: {  	v3 =	vor.u32 v3, v4  }
0x129: {  	v4 =	vperm.xlane v3, v0;
	_ =	sdelay $0x1  }
0x12a: {  	v4 =	vadd.s32 v1, v4;
	_ =	sdelay $0x4  }
0x12b: {  	[tilespmem:s9], [sflag:$0x1] =	stream.indirect_vreg.gather [hbm4b:s2+s3], $0x80, v4, vm0, $0xb8;
	[tilespmem:$0x18100] =	vst v63  }
0x12c: {  	v3 =	vperm.xlane v3, v2  }
0x12d: {  	[tilespmem:s11], [sflag:$0x1] =	stream.indirect_vreg.gather [hbm4b:s5+s3], $0x80, v4, vm0, $0xb8;
	[tilespmem:$0x18100] =	vst v63  }
0x12e: {  	v3 =	vadd.s32 v1, v3  }
0x12f: {  	[tilespmem:s12], [sflag:$0x1] =	stream.indirect_vreg.gather [hbm4b:s6+s3], $0x80, v4, vm0, $0xb8;
	[tilespmem:$0x18100] =	vst v63  }
0x130: {  	_ = 	snop  }
0x131: {  	[tilespmem:s13], [sflag:$0x1] =	stream.indirect_vreg.gather [hbm4b:s7+s3], $0x80, v4, vm0, $0xb8;
	[tilespmem:$0x18100] =	vst v63  }
0x132: {  	_ = 	snop  }
0x133: {  	[tilespmem:s22], [sflag:$0x1] =	stream.indirect_vreg.gather [hbm4b:s2+s3], $0x80, v3, vm0, $0xb8;
	[tilespmem:$0x18100] =	vst v63  }
0x134: {  	_ = 	snop  }
0x135: {  	[tilespmem:s23], [sflag:$0x1] =	stream.indirect_vreg.gather [hbm4b:s5+s3], $0x80, v3, vm0, $0xb8;
	[tilespmem:$0x18100] =	vst v63  }
0x136: {  	_ = 	snop  }
0x137: {  	[tilespmem:s24], [sflag:$0x1] =	stream.indirect_vreg.gather [hbm4b:s6+s3], $0x80, v3, vm0, $0xb8;
	[tilespmem:$0x18100] =	vst v63  }
0x138: {  	_ = 	snop  }
0x139: {  	[tilespmem:s25], [sflag:$0x1] =	stream.indirect_vreg.gather [hbm4b:s7+s3], $0x80, v3, vm0, $0xb8;
	[tilespmem:$0x18100] =	vst v63  }
0x13a: {  	_ =	swait.ge [sflag:s18], $0x8000  }
0x13b: {  	[sflag:s18] =	ssyncset.done $0x0  }
0x13c: {  	s1 =	rddreg [dreg:$0x8];
	[sflag:s18] =	ssyncadd.s32 $0xFFFF8000  }
0x13d: {  	[hbm4b:s1+s3] =	stream.linear.scatter [tilespmem:s0], [sflag:$0x2], $0x8000, $0x38;
	[tilespmem:$0x18100] =	vst v63  }
0x13e: {  	_ =	swait.ge [sflag:s20], $0x8000  }
0x13f: {  	[sflag:s20] =	ssyncset.done $0x0  }
0x140: {  	[sflag:s20] =	ssyncadd.s32 $0xFFFF8000  }
0x141: {  	v3 =	vld [tilespmem:$0xC0];
	_ =	sdelay $0x4  }
0x142: {  	v60 =	vshll.u32 v3, $0x3  }
0x143: {  	v3 =	vand.u32 $0x7, v3;
	v4 =	vand.u32 $0xFFFFFFC0, v60  }
0x144: {  	v3 =	vor.u32 v3, v4  }
0x145: {  	v4 =	vperm.xlane v3, v0;
	_ =	sdelay $0x1  }
0x146: {  	v4 =	vadd.s32 v1, v4;
	_ =	sdelay $0x4  }
0x147: {  	[tilespmem:s26], [sflag:$0x1] =	stream.indirect_vreg.gather [hbm4b:s2+s3], $0x80, v4, vm0, $0xb8;
	[tilespmem:$0x18100] =	vst v63  }
0x148: {  	s22 =	simm.s32 $0x900;
	v3 =	vperm.xlane v3, v2  }
0x149: {  	[tilespmem:s22], [sflag:$0x1] =	stream.indirect_vreg.gather [hbm4b:s5+s3], $0x80, v4, vm0, $0xb8;
	[tilespmem:$0x18100] =	vst v63  }
0x14a: {  	s23 =	simm.s32 $0x1100;
	v3 =	vadd.s32 v1, v3  }
0x14b: {  	[tilespmem:s23], [sflag:$0x1] =	stream.indirect_vreg.gather [hbm4b:s6+s3], $0x80, v4, vm0, $0xb8;
	[tilespmem:$0x18100] =	vst v63  }
0x14c: {  	s21 =	simm.s32 $0x1900  }
0x14d: {  	[tilespmem:s21], [sflag:$0x1] =	stream.indirect_vreg.gather [hbm4b:s7+s3], $0x80, v4, vm0, $0xb8;
	[tilespmem:$0x18100] =	vst v63  }
0x14e: {  	s22 =	simm.s32 $0x2100  }
0x14f: {  	[tilespmem:s22], [sflag:$0x1] =	stream.indirect_vreg.gather [hbm4b:s2+s3], $0x80, v3, vm0, $0xb8;
	[tilespmem:$0x18100] =	vst v63  }
0x150: {  	_ = 	snop  }
0x151: {  	[tilespmem:s28], [sflag:$0x1] =	stream.indirect_vreg.gather [hbm4b:s5+s3], $0x80, v3, vm0, $0xb8;
	[tilespmem:$0x18100] =	vst v63  }
0x152: {  	_ = 	snop  }
0x153: {  	[tilespmem:s29], [sflag:$0x1] =	stream.indirect_vreg.gather [hbm4b:s6+s3], $0x80, v3, vm0, $0xb8;
	[tilespmem:$0x18100] =	vst v63  }
0x154: {  	_ = 	snop  }
0x155: {  	[tilespmem:s30], [sflag:$0x1] =	stream.indirect_vreg.gather [hbm4b:s7+s3], $0x80, v3, vm0, $0xb8;
	[tilespmem:$0x18100] =	vst v63  }
0x156: {  	v3 =	vld [tilespmem:$0xD0];
	_ =	sdelay $0x4  }
0x157: {  	v61 =	vshll.u32 v3, $0x3  }
0x158: {  	v3 =	vand.u32 $0x7, v3;
	v4 =	vand.u32 $0xFFFFFFC0, v61  }
0x159: {  	v3 =	vor.u32 v3, v4  }
0x15a: {  	v4 =	vperm.xlane v3, v0;
	_ =	sdelay $0x1  }
0x15b: {  	v4 =	vadd.s32 v1, v4;
	_ =	sdelay $0x4  }
0x15c: {  	[tilespmem:s31], [sflag:$0x1] =	stream.indirect_vreg.gather [hbm4b:s2+s3], $0x80, v4, vm0, $0xb8;
	[tilespmem:$0x18100] =	vst v63  }
0x15d: {  	s23 =	simm.s32 $0x4900;
	v3 =	vperm.xlane v3, v2  }
0x15e: {  	[tilespmem:s23], [sflag:$0x1] =	stream.indirect_vreg.gather [hbm4b:s5+s3], $0x80, v4, vm0, $0xb8;
	[tilespmem:$0x18100] =	vst v63  }
0x15f: {  	s21 =	simm.s32 $0x5100;
	v3 =	vadd.s32 v1, v3  }
0x160: {  	[tilespmem:s21], [sflag:$0x1] =	stream.indirect_vreg.gather [hbm4b:s6+s3], $0x80, v4, vm0, $0xb8;
	[tilespmem:$0x18100] =	vst v63  }
0x161: {  	s22 =	simm.s32 $0x5900  }
0x162: {  	[tilespmem:s22], [sflag:$0x1] =	stream.indirect_vreg.gather [hbm4b:s7+s3], $0x80, v4, vm0, $0xb8;
	[tilespmem:$0x18100] =	vst v63  }
0x163: {  	s23 =	simm.s32 $0x6100  }
0x164: {  	[tilespmem:s23], [sflag:$0x1] =	stream.indirect_vreg.gather [hbm4b:s2+s3], $0x80, v3, vm0, $0xb8;
	[tilespmem:$0x18100] =	vst v63  }
0x165: {  	s21 =	simm.s32 $0x6900  }
0x166: {  	[tilespmem:s21], [sflag:$0x1] =	stream.indirect_vreg.gather [hbm4b:s5+s3], $0x80, v3, vm0, $0xb8;
	[tilespmem:$0x18100] =	vst v63  }
0x167: {  	s22 =	simm.s32 $0x7100  }
0x168: {  	[tilespmem:s22], [sflag:$0x1] =	stream.indirect_vreg.gather [hbm4b:s6+s3], $0x80, v3, vm0, $0xb8;
	[tilespmem:$0x18100] =	vst v63  }
0x169: {  	s23 =	simm.s32 $0x7900  }
0x16a: {  	[tilespmem:s23], [sflag:$0x1] =	stream.indirect_vreg.gather [hbm4b:s7+s3], $0x80, v3, vm0, $0xb8;
	[tilespmem:$0x18100] =	vst v63  }
0x16b: {  	_ =	swait.ge [sflag:s18], $0x8000  }
0x16c: {  	[sflag:s18] =	ssyncset.done $0x0  }
0x16d: {  	s1 =	rddreg [dreg:$0x9];
	[sflag:s18] =	ssyncadd.s32 $0xFFFF8000  }
0x16e: {  	[hbm4b:s1+s3] =	stream.linear.scatter [tilespmem:s10], [sflag:$0x2], $0x8000, $0x38;
	[tilespmem:$0x18100] =	vst v63  }
0x16f: {  	_ =	swait.ge [sflag:s20], $0x8000  }
0x170: {  	[sflag:s20] =	ssyncset.done $0x0  }
0x171: {  	[sflag:s20] =	ssyncadd.s32 $0xFFFF8000  }
0x172: {  	v3 =	vld [tilespmem:$0xE0];
	_ =	sdelay $0x4  }
0x173: {  	v62 =	vshll.u32 v3, $0x3  }
0x174: {  	v3 =	vand.u32 $0x7, v3;
	v4 =	vand.u32 $0xFFFFFFC0, v62  }
0x175: {  	v3 =	vor.u32 v3, v4  }
0x176: {  	v4 =	vperm.xlane v3, v0;
	_ =	sdelay $0x1  }
0x177: {  	v4 =	vadd.s32 v1, v4;
	_ =	sdelay $0x4  }
0x178: {  	[tilespmem:s0], [sflag:$0x1] =	stream.indirect_vreg.gather [hbm4b:s2+s3], $0x80, v4, vm0, $0xb8;
	[tilespmem:$0x18100] =	vst v63  }
0x179: {  	s22 =	simm.s32 $0x8900;
	v3 =	vperm.xlane v3, v2  }
0x17a: {  	[tilespmem:s22], [sflag:$0x1] =	stream.indirect_vreg.gather [hbm4b:s5+s3], $0x80, v4, vm0, $0xb8;
	[tilespmem:$0x18100] =	vst v63  }
0x17b: {  	s23 =	simm.s32 $0x9100;
	v3 =	vadd.s32 v1, v3  }
0x17c: {  	[tilespmem:s23], [sflag:$0x1] =	stream.indirect_vreg.gather [hbm4b:s6+s3], $0x80, v4, vm0, $0xb8;
	[tilespmem:$0x18100] =	vst v63  }
0x17d: {  	s21 =	simm.s32 $0x9900  }
0x17e: {  	[tilespmem:s21], [sflag:$0x1] =	stream.indirect_vreg.gather [hbm4b:s7+s3], $0x80, v4, vm0, $0xb8;
	[tilespmem:$0x18100] =	vst v63  }
0x17f: {  	s22 =	simm.s32 $0xA100  }
0x180: {  	[tilespmem:s22], [sflag:$0x1] =	stream.indirect_vreg.gather [hbm4b:s2+s3], $0x80, v3, vm0, $0xb8;
	[tilespmem:$0x18100] =	vst v63  }
0x181: {  	s23 =	simm.s32 $0xA900  }
0x182: {  	[tilespmem:s23], [sflag:$0x1] =	stream.indirect_vreg.gather [hbm4b:s5+s3], $0x80, v3, vm0, $0xb8;
	[tilespmem:$0x18100] =	vst v63  }
0x183: {  	s21 =	simm.s32 $0xB100  }
0x184: {  	[tilespmem:s21], [sflag:$0x1] =	stream.indirect_vreg.gather [hbm4b:s6+s3], $0x80, v3, vm0, $0xb8;
	[tilespmem:$0x18100] =	vst v63  }
0x185: {  	s22 =	simm.s32 $0xB900  }
0x186: {  	[tilespmem:s22], [sflag:$0x1] =	stream.indirect_vreg.gather [hbm4b:s7+s3], $0x80, v3, vm0, $0xb8;
	[tilespmem:$0x18100] =	vst v63  }
0x187: {  	v3 =	vld [tilespmem:$0xF0];
	_ =	sdelay $0x4  }
0x188: {  	v63 =	vshll.u32 v3, $0x3  }
0x189: {  	v3 =	vand.u32 $0x7, v3;
	v4 =	vand.u32 $0xFFFFFFC0, v63  }
0x18a: {  	v3 =	vor.u32 v3, v4  }
0x18b: {  	v4 =	vperm.xlane v3, v0;
	_ =	sdelay $0x1  }
0x18c: {  	v4 =	vadd.s32 v1, v4;
	_ =	sdelay $0x3  }
0x18d: {  	s23 =	simm.s32 $0xC100  }
0x18e: {  	[tilespmem:s23], [sflag:$0x1] =	stream.indirect_vreg.gather [hbm4b:s2+s3], $0x80, v4, vm0, $0xb8;
	[tilespmem:$0x18100] =	vst v63  }
0x18f: {  	s21 =	simm.s32 $0xC900;
	v3 =	vperm.xlane v3, v2  }
0x190: {  	[tilespmem:s21], [sflag:$0x1] =	stream.indirect_vreg.gather [hbm4b:s5+s3], $0x80, v4, vm0, $0xb8;
	[tilespmem:$0x18100] =	vst v63  }
0x191: {  	s22 =	simm.s32 $0xD100;
	v3 =	vadd.s32 v1, v3  }
0x192: {  	[tilespmem:s22], [sflag:$0x1] =	stream.indirect_vreg.gather [hbm4b:s6+s3], $0x80, v4, vm0, $0xb8;
	[tilespmem:$0x18100] =	vst v63  }
0x193: {  	s23 =	simm.s32 $0xD900  }
0x194: {  	[tilespmem:s23], [sflag:$0x1] =	stream.indirect_vreg.gather [hbm4b:s7+s3], $0x80, v4, vm0, $0xb8;
	[tilespmem:$0x18100] =	vst v63  }
0x195: {  	s21 =	simm.s32 $0xE100  }
0x196: {  	[tilespmem:s21], [sflag:$0x1] =	stream.indirect_vreg.gather [hbm4b:s2+s3], $0x80, v3, vm0, $0xb8;
	[tilespmem:$0x18100] =	vst v63  }
0x197: {  	s22 =	simm.s32 $0xE900  }
0x198: {  	[tilespmem:s22], [sflag:$0x1] =	stream.indirect_vreg.gather [hbm4b:s5+s3], $0x80, v3, vm0, $0xb8;
	[tilespmem:$0x18100] =	vst v63  }
0x199: {  	s23 =	simm.s32 $0xF100  }
0x19a: {  	[tilespmem:s23], [sflag:$0x1] =	stream.indirect_vreg.gather [hbm4b:s6+s3], $0x80, v3, vm0, $0xb8;
	[tilespmem:$0x18100] =	vst v63  }
0x19b: {  	s21 =	simm.s32 $0xF900  }
0x19c: {  	[tilespmem:s21], [sflag:$0x1] =	stream.indirect_vreg.gather [hbm4b:s7+s3], $0x80, v3, vm0, $0xb8;
	[tilespmem:$0x18100] =	vst v63  }
0x19d: {  	_ =	swait.ge [sflag:s18], $0x8000  }
0x19e: {  	[sflag:s18] =	ssyncset.done $0x0  }
0x19f: {  	s22 =	rddreg [dreg:$0xa];
	[sflag:s18] =	ssyncadd.s32 $0xFFFF8000  }
0x1a0: {  	[hbm4b:s22+s3] =	stream.linear.scatter [tilespmem:s26], [sflag:$0x2], $0x8000, $0x38;
	[tilespmem:$0x18100] =	vst v63  }
0x1a1: {  	_ =	swait.ge [sflag:s18], $0x8000  }
0x1a2: {  	[sflag:s18] =	ssyncset.done $0x0  }
0x1a3: {  	s23 =	rddreg [dreg:$0xb];
	[sflag:s18] =	ssyncadd.s32 $0xFFFF8000  }
0x1a4: {  	[hbm4b:s23+s3] =	stream.linear.scatter [tilespmem:s0], [sflag:$0x2], $0x8000, $0x38;
	[tilespmem:$0x18100] =	vst v63  }
0x1a5: {  	_ =	swait.ge [sflag:s20], $0x8000  }
0x1a6: {  	[sflag:s20] =	ssyncset.done $0x0  }
0x1a7: {  	[sflag:s20] =	ssyncadd.s32 $0xFFFF8000  }
0x1a8: {  	p0 =	sne.s32 s8, $0x1;
	_ =	swait.ge [sflag:s20], $0x8000  }
.Ltmp0:
0x1a9: {  	[sflag:s20] =	ssyncset.done $0x0;
	(pc) =	sbr.rel @p0 .LBB2_1-.Ltmp0, $4  }
0x1aa: {  	[sflag:s20] =	ssyncadd.s32 $0xFFFF8000  }
0x1ab: {  	_ =	swait.ge [sflag:s20], $0x8000  }
0x1ac: {  	[sflag:s20] =	ssyncset.done $0x0  }
0x1ad: {  	s8 =	sadd.s32 $0xFFFFFFFF, s8;
	[sflag:s20] =	ssyncadd.s32 $0xFFFF8000  }
0x1ae: {  	_ =	sfence.sel $0x180000  }
0x1af: {  	[bflag:$0x0] =	sbarrier.arrive $0xFFFF  }
0x1b0: {  	_ =	strace $0x90000047  }
0x1b1: {  	s0 =	stileid.u32;
	[bflag:$0x2] =	sbarrier.arrive $0xFFFF  }
0x1b2: {  	p0 =	sne.s32 s0, $0x0;
	s0 =	rddreg [dreg:$0x3]  }
0x1b3: {  	s0 =	sadd.s32 @!p0 $0x100000, s0  }
0x1b4: {  	[sflag:s0] =	ssyncadd.tile.s32 @!p0 $0x1;
	_ =	shalt  }
.Lfunc_end2:
_tile_overlayer_lowered:
.L_overlay_start_2:
0x1b5: {  	(tag) =	ssettag $0x2  }
0x1b6: {  	s0 =	rddreg [dreg:$0x0];
	s2 =	stileid.u32  }
0x1b7: {  	s1 =	rddreg [dreg:$0x1];
	p0 =	sne.s32 s2, $0x0  }
0x1b8: {  	s3 =	rddreg [dreg:$0x2];
	[bflag:$0x3] =	sbarrier.arrive $0xFFFF;
	s2 =	simm.s32 @!p0 $0x1C03  }
0x1b9: {  	[timem:s3], [sflag:s2] =	dma.local @!p0 [hbm:s0], s1  }
0x1ba: {  	s0 =	simm.s32 @!p0 $0x3  }
0x1bb: {  	_ =	swait.ge @!p0 [sflag:s0], s1  }
0x1bc: {  	s1 =	ssub.s32 @!p0 $0x0, s1;
	[sflag:s0] =	ssyncset.done @!p0 $0x0  }
0x1bd: {  	[sflag:s0] =	ssyncadd.s32 @!p0 s1  }
0x1be: {  	[bflag:$0x3] =	sbarrier.arrive $0xFFFF  }
0x1bf: {  	_ =	shalt  }

</sc_bundles>
